<compile_context>
chip_gen: v7x
topology: tpu7x:2x2x1
jax: 0.10.2.dev20260603
libtpu: 0.0.44.dev20260713+nightly
codegen_flags: <defaults>
</compile_context>

<pallas_src>
import functools

import jax
import jax.numpy as jnp
from jax import lax
from jax.experimental import pallas as pl
from jax.experimental.pallas import tpu as pltpu, tpu_sc as plsc

EMB_NUM = 100000
FEATURES = 128
N = 819200

NUM_WORKERS = 32
PER_TILE = N // NUM_WORKERS
BLK = 128
NBLK = PER_TILE // BLK
NBUF = 2
FCH = FEATURES // 16


def _splat_lane(vec, j):
    dnums = lax.GatherDimensionNumbers(
        offset_dims=(), collapsed_slice_dims=(0,), start_index_map=(0,))
    return lax.gather(vec, jnp.full((16, 1), j, jnp.int32), dnums,
                      slice_sizes=(1,),
                      mode=lax.GatherScatterMode.PROMISE_IN_BOUNDS)


def _lerp_block(w_v, left_v, right_v, out_v):
    @plsc.parallel_loop(0, BLK)
    def row(r):
        wvec = w_v[pl.ds((r // 16) * 16, 16)]
        ws = _splat_lane(wvec, r % 16)
        om = 1.0 - ws
        for f in range(FCH):
            l = left_v[r, pl.ds(f * 16, 16)]
            rr = right_v[r, pl.ds(f * 16, 16)]
            out_v[r, pl.ds(f * 16, 16)] = ws * rr + om * l


def _make_kernel():
    mesh = plsc.VectorSubcoreMesh(core_axis_name="c", subcore_axis_name="s")

    @functools.partial(
        pl.kernel,
        mesh=mesh,
        out_type=jax.ShapeDtypeStruct((N, FEATURES), jnp.float32),
        scratch_types=[
            pltpu.VMEM((PER_TILE,), jnp.float32),
            pltpu.VMEM((BLK,), jnp.int32),
            pltpu.VMEM((BLK,), jnp.int32),
            pltpu.VMEM((BLK,), jnp.int32),
            pltpu.VMEM((BLK,), jnp.int32),
            pltpu.VMEM((BLK,), jnp.float32),
            pltpu.VMEM((BLK,), jnp.float32),
            pltpu.VMEM((BLK, FEATURES), jnp.float32),
            pltpu.VMEM((BLK, FEATURES), jnp.float32),
            pltpu.VMEM((BLK, FEATURES), jnp.float32),
            pltpu.VMEM((BLK, FEATURES), jnp.float32),
            pltpu.VMEM((BLK, FEATURES), jnp.float32),
            pltpu.VMEM((BLK, FEATURES), jnp.float32),
            pltpu.SemaphoreType.DMA,
            pltpu.SemaphoreType.DMA,
            pltpu.SemaphoreType.DMA,
            pltpu.SemaphoreType.DMA,
        ],
    )
    def emb_kernel(pos_hbm, table_hbm, out_hbm,
                   pos_v, li0, li1, ri0, ri1, w0, w1,
                   l0, l1, r0, r1, o0, o1,
                   gsem0, gsem1, ssem0, ssem1):
        li = [li0, li1]
        ri = [ri0, ri1]
        w = [w0, w1]
        left = [l0, l1]
        right = [r0, r1]
        outb = [o0, o1]
        gsem = [gsem0, gsem1]
        ssem = [ssem0, ssem1]

        wid = lax.axis_index("s") * 2 + lax.axis_index("c")
        base = wid * PER_TILE
        pltpu.sync_copy(pos_hbm.at[pl.ds(base, PER_TILE)], pos_v)

        def prep(n, b):
            off = n * BLK

            @plsc.parallel_loop(0, BLK // 16)
            def idx_chunk(c):
                p = pos_v[pl.ds(off + c * 16, 16)]
                data = jnp.clip(p * float(EMB_NUM), 0.0, float(EMB_NUM - 1))
                lic = data.astype(jnp.int32)
                li[b][pl.ds(c * 16, 16)] = lic
                ri[b][pl.ds(c * 16, 16)] = jnp.minimum(lic + 1, EMB_NUM - 1)
                w[b][pl.ds(c * 16, 16)] = data - lic.astype(jnp.float32)
            pltpu.async_copy(table_hbm.at[li[b]], left[b], gsem[b])
            pltpu.async_copy(table_hbm.at[ri[b]], right[b], gsem[b])

        prep(0, 0)
        prep(1, 1)

        def super_block(s, carry):
            for b in range(NBUF):
                g = s * NBUF + b
                pltpu.make_async_copy(table_hbm.at[li[b]], left[b], gsem[b]).wait()
                pltpu.make_async_copy(table_hbm.at[ri[b]], right[b], gsem[b]).wait()

                @pl.when(s > 0)
                def _wait_prev_store():
                    pltpu.make_async_copy(
                        outb[b], out_hbm.at[pl.ds(base + g * BLK, BLK)],
                        ssem[b]).wait()

                _lerp_block(w[b], left[b], right[b], outb[b])
                pltpu.async_copy(
                    outb[b], out_hbm.at[pl.ds(base + g * BLK, BLK)], ssem[b])

                n = g + NBUF

                @pl.when(n < NBLK)
                def _prep_next():
                    prep(n, b)
            return carry
        lax.fori_loop(0, NBLK // NBUF, super_block, 0)

        for b in range(NBUF):
            g = NBLK - NBUF + b
            pltpu.make_async_copy(
                outb[b], out_hbm.at[pl.ds(base + g * BLK, BLK)], ssem[b]).wait()

    return emb_kernel


_emb = _make_kernel()


@jax.jit
def kernel(seq_positions, lookup_weight):
    return _emb(seq_positions, lookup_weight)

# --- scband reference (transcript-rebuilt; emitter-appended) ---
"""Pipeline reference for scband-embedding-13176959664306 (READ-ONLY COPY).

The authoritative reference and input builder live on the scoring server;
editing this copy changes nothing except your own understanding.
"""

import jax, jax.numpy as jnp
import numpy as np

EMB_NUM = 100000
FEATURES = 128
N = 819200


def setup_inputs(seed: int = 0) -> dict:
    key = jax.random.key(seed)
    k1, k2 = jax.random.split(key)
    # seq_positions are normalized temporal positions in [0, 1)
    seq_positions = jax.random.uniform(k1, (N,), dtype=jnp.float32)
    # learned lookup table (torch.nn.Embedding(emb_num, features).weight)
    lookup_weight = jax.random.normal(k2, (EMB_NUM, FEATURES), dtype=jnp.float32)
    return {"seq_positions": seq_positions, "lookup_weight": lookup_weight}


def reference(seq_positions, lookup_weight):
    # Faithful port of Embedding._learned_temp_embedding (mode='learned', emb_type='temp')
    emb_num = lookup_weight.shape[0]
    n = seq_positions.shape[0]
    # _compute_weights
    data = seq_positions * emb_num
    left_ind = jnp.clip(data, 0, emb_num - 1).astype(jnp.int32)
    right_ind = jnp.clip(left_ind + 1, 0, emb_num - 1)
    left_weight = data - left_ind.astype(jnp.float32)
    right_weight = 1.0 - left_weight
    # two gathers into the learned table
    left_emb = jnp.take(lookup_weight, left_ind, axis=0)
    right_emb = jnp.take(lookup_weight, right_ind, axis=0)
    # linear interpolation between neighboring embeddings
    temp_emb = left_weight[:, None] * right_emb + right_weight[:, None] * left_emb
    return temp_emb.reshape(n, lookup_weight.shape[1])

if __name__ == "__main__":
    import jax
    _d = setup_inputs()
    print(jax.jit(kernel)(*tuple(_d.values())))

</pallas_src>

<mosaic_0001>
#map = affine_map<(d0, d1) -> (0)>
#map1 = affine_map<(d0, d1) -> (0, 0)>
module attributes {stable_mosaic.version = 14 : i64} {
  func.func @emb_kernel(%arg0: i32, %arg1: i32, %arg2: memref<819200xf32, #tpu.memory_space<hbm>>, %arg3: memref<100000x128xf32, #tpu.memory_space<hbm>>, %arg4: memref<819200x128xf32, #tpu.memory_space<hbm>>, %arg5: memref<25600xf32, #tpu.memory_space<vmem>>, %arg6: memref<128xi32, #tpu.memory_space<vmem>>, %arg7: memref<128xi32, #tpu.memory_space<vmem>>, %arg8: memref<128xi32, #tpu.memory_space<vmem>>, %arg9: memref<128xi32, #tpu.memory_space<vmem>>, %arg10: memref<128xf32, #tpu.memory_space<vmem>>, %arg11: memref<128xf32, #tpu.memory_space<vmem>>, %arg12: memref<128x128xf32, #tpu.memory_space<vmem>>, %arg13: memref<128x128xf32, #tpu.memory_space<vmem>>, %arg14: memref<128x128xf32, #tpu.memory_space<vmem>>, %arg15: memref<128x128xf32, #tpu.memory_space<vmem>>, %arg16: memref<128x128xf32, #tpu.memory_space<vmem>>, %arg17: memref<128x128xf32, #tpu.memory_space<vmem>>, %arg18: memref<!tpu.dma_semaphore, #tpu.memory_space<semaphore_mem>>, %arg19: memref<!tpu.dma_semaphore, #tpu.memory_space<semaphore_mem>>, %arg20: memref<!tpu.dma_semaphore, #tpu.memory_space<semaphore_mem>>, %arg21: memref<!tpu.dma_semaphore, #tpu.memory_space<semaphore_mem>>) attributes {dimension_semantics = [#tpu.dimension_semantics<core_parallel>, #tpu.dimension_semantics<subcore_parallel>], iteration_bounds = array<i64: 2, 16>, scalar_prefetch = 0 : i64, scratch_operands = 17 : i64, tpu.core_type = #tpu.core_type<sc_vector_subcore>, window_params = [{transform_indices = #map}, {transform_indices = #map1}, {transform_indices = #map1}]} {
    %mul3A = arith.constant 2 : i32
    %mul3A_0 = arith.muli %arg1, %mul3A : i32
    %add3A = arith.addi %mul3A_0, %arg0 : i32
    %mul3A_1 = arith.constant 25600 : i32
    %mul3A_2 = arith.muli %add3A, %mul3A_1 : i32
    "tpu.region"() ({
      %run_scoped3A = tpu.sem_alloc : memref<!tpu.dma_semaphore, #tpu.memory_space<semaphore_mem>>
      %dma_start3A_35 = tpu.memref_slice %arg2[%mul3A_2] : memref<819200xf32, #tpu.memory_space<hbm>> -> memref<25600xf32, #tpu.memory_space<hbm>>
      %dma_start3A_36 = tpu.memref_slice %arg2[%mul3A_2] : memref<819200xf32, #tpu.memory_space<hbm>> -> memref<25600xf32, #tpu.memory_space<hbm>>
      tpu.enqueue_dma source(%dma_start3A_36 : memref<25600xf32, #tpu.memory_space<hbm>>) target(%arg5 : memref<25600xf32, #tpu.memory_space<vmem>>) target_semaphore(%run_scoped3A : memref<!tpu.dma_semaphore, #tpu.memory_space<semaphore_mem>>)
      %dma_wait3A_37 = tpu.memref_slice %arg2[%mul3A_2] : memref<819200xf32, #tpu.memory_space<hbm>> -> memref<25600xf32, #tpu.memory_space<hbm>>
      %dma_wait3A_38 = tpu.memref_slice %arg2[%mul3A_2] : memref<819200xf32, #tpu.memory_space<hbm>> -> memref<25600xf32, #tpu.memory_space<hbm>>
      tpu.wait_dma2 semaphore(%run_scoped3A : memref<!tpu.dma_semaphore, #tpu.memory_space<semaphore_mem>>) src(%dma_wait3A_38 : memref<25600xf32, #tpu.memory_space<hbm>>) dst(%arg5 : memref<25600xf32, #tpu.memory_space<vmem>>)
      tpu.yield
    }) : () -> ()
    %parallel_loop3A = arith.constant 0 : i32
    %parallel_loop3A_3 = arith.constant 8 : i32
    %parallel_loop3A_4 = arith.constant 1 : i32
    scf.for %parallel_loop3A_35 = %parallel_loop3A to %parallel_loop3A_3 step %parallel_loop3A_4  : i32 {
      %parallel_loop3A_36 = arith.constant 16 : i32
      %parallel_loop3A_37 = arith.muli %parallel_loop3A_35, %parallel_loop3A_36 : i32
      %parallel_loop3A_38 = arith.constant 0 : i32
      %parallel_loop3A_39 = arith.addi %parallel_loop3A_38, %parallel_loop3A_37 : i32
      %parallel_loop3A_40 = arith.index_cast %parallel_loop3A_39 : i32 to index
      %parallel_loop3A_41 = tpu.vector_load %arg5[%parallel_loop3A_40] {strides = array<i32>} : memref<25600xf32, #tpu.memory_space<vmem>>, vector<16xf32>,
      %parallel_loop3A_42 = vector.shape_cast %parallel_loop3A_41 : vector<16xf32> to vector<16xf32>
      %parallel_loop3A_43 = arith.constant 1.000000e+05 : f32
      %parallel_loop3A_44 = vector.broadcast %parallel_loop3A_43 : f32 to vector<16xf32>
      %parallel_loop3A_45 = arith.mulf %parallel_loop3A_42, %parallel_loop3A_44 : vector<16xf32>
      %parallel_loop3A_46 = arith.constant 0.000000e+00 : f32
      %parallel_loop3A_47 = arith.constant 9.999900e+04 : f32
      %parallel_loop3A_48 = vector.broadcast %parallel_loop3A_46 : f32 to vector<16xf32>
      %parallel_loop3A_49 = arith.maximumf %parallel_loop3A_48, %parallel_loop3A_45 : vector<16xf32>
      %parallel_loop3A_50 = vector.broadcast %parallel_loop3A_47 : f32 to vector<16xf32>
      %parallel_loop3A_51 = arith.minimumf %parallel_loop3A_50, %parallel_loop3A_49 : vector<16xf32>
      %parallel_loop3A_52 = arith.fptosi %parallel_loop3A_51 : vector<16xf32> to vector<16xi32>
      %parallel_loop3A_53 = arith.constant 16 : i32
      %parallel_loop3A_54 = arith.muli %parallel_loop3A_35, %parallel_loop3A_53 : i32
      %parallel_loop3A_55 = arith.index_cast %parallel_loop3A_54 : i32 to index
      %parallel_loop3A_56 = tpu.vector_load %arg6[%parallel_loop3A_55] {strides = array<i32>} : memref<128xi32, #tpu.memory_space<vmem>>, vector<16xi32>,
      %parallel_loop3A_57 = vector.shape_cast %parallel_loop3A_56 : vector<16xi32> to vector<16xi32>
      %parallel_loop3A_58 = vector.shape_cast %parallel_loop3A_52 : vector<16xi32> to vector<16xi32>
      tpu.vector_store %arg6[%parallel_loop3A_55], %parallel_loop3A_58 {strides = array<i32>} : memref<128xi32, #tpu.memory_space<vmem>>, vector<16xi32>,
      %parallel_loop3A_59 = arith.constant 1 : i32
      %parallel_loop3A_60 = vector.broadcast %parallel_loop3A_59 : i32 to vector<16xi32>
      %parallel_loop3A_61 = arith.addi %parallel_loop3A_52, %parallel_loop3A_60 : vector<16xi32>
      %parallel_loop3A_62 = arith.constant 99999 : i32
      %parallel_loop3A_63 = vector.broadcast %parallel_loop3A_62 : i32 to vector<16xi32>
      %parallel_loop3A_64 = arith.minsi %parallel_loop3A_61, %parallel_loop3A_63 : vector<16xi32>
      %parallel_loop3A_65 = arith.constant 16 : i32
      %parallel_loop3A_66 = arith.muli %parallel_loop3A_35, %parallel_loop3A_65 : i32
      %parallel_loop3A_67 = arith.index_cast %parallel_loop3A_66 : i32 to index
      %parallel_loop3A_68 = tpu.vector_load %arg8[%parallel_loop3A_67] {strides = array<i32>} : memref<128xi32, #tpu.memory_space<vmem>>, vector<16xi32>,
      %parallel_loop3A_69 = vector.shape_cast %parallel_loop3A_68 : vector<16xi32> to vector<16xi32>
      %parallel_loop3A_70 = vector.shape_cast %parallel_loop3A_64 : vector<16xi32> to vector<16xi32>
      tpu.vector_store %arg8[%parallel_loop3A_67], %parallel_loop3A_70 {strides = array<i32>} : memref<128xi32, #tpu.memory_space<vmem>>, vector<16xi32>,
      %parallel_loop3A_71 = arith.sitofp %parallel_loop3A_52 : vector<16xi32> to vector<16xf32>
      %parallel_loop3A_72 = arith.subf %parallel_loop3A_51, %parallel_loop3A_71 : vector<16xf32>
      %parallel_loop3A_73 = arith.constant 16 : i32
      %parallel_loop3A_74 = arith.muli %parallel_loop3A_35, %parallel_loop3A_73 : i32
      %parallel_loop3A_75 = arith.index_cast %parallel_loop3A_74 : i32 to index
      %parallel_loop3A_76 = tpu.vector_load %arg10[%parallel_loop3A_75] {strides = array<i32>} : memref<128xf32, #tpu.memory_space<vmem>>, vector<16xf32>,
      %parallel_loop3A_77 = vector.shape_cast %parallel_loop3A_76 : vector<16xf32> to vector<16xf32>
      %parallel_loop3A_78 = vector.shape_cast %parallel_loop3A_72 : vector<16xf32> to vector<16xf32>
      tpu.vector_store %arg10[%parallel_loop3A_75], %parallel_loop3A_78 {strides = array<i32>} : memref<128xf32, #tpu.memory_space<vmem>>, vector<16xf32>,
    } {sc.loop_unroll_factor = 1 : i64, sc.parallel_access}
    %dma_start3A = arith.constant 0 : i32
    %dma_start3A_5 = arith.constant 0 : i32
    %dma_start3A_6 = tpu.memref_slice %arg3[%dma_start3A, %dma_start3A_5] : memref<100000x128xf32, #tpu.memory_space<hbm>> -> memref<100000x128xf32, #tpu.memory_space<hbm>>
    tpu.enqueue_indirect_dma source(%dma_start3A_6 : memref<100000x128xf32, #tpu.memory_space<hbm>>) target(%arg12 : memref<128x128xf32, #tpu.memory_space<vmem>>) offsets(%arg6 : memref<128xi32, #tpu.memory_space<vmem>>) semaphore(%arg18 : memref<!tpu.dma_semaphore, #tpu.memory_space<semaphore_mem>>)
    %dma_start3A_7 = arith.constant 0 : i32
    %dma_start3A_8 = arith.constant 0 : i32
    %dma_start3A_9 = tpu.memref_slice %arg3[%dma_start3A_7, %dma_start3A_8] : memref<100000x128xf32, #tpu.memory_space<hbm>> -> memref<100000x128xf32, #tpu.memory_space<hbm>>
    tpu.enqueue_indirect_dma source(%dma_start3A_9 : memref<100000x128xf32, #tpu.memory_space<hbm>>) target(%arg14 : memref<128x128xf32, #tpu.memory_space<vmem>>) offsets(%arg8 : memref<128xi32, #tpu.memory_space<vmem>>) semaphore(%arg18 : memref<!tpu.dma_semaphore, #tpu.memory_space<semaphore_mem>>)
    %parallel_loop3A_10 = arith.constant 0 : i32
    %parallel_loop3A_11 = arith.constant 8 : i32
    %parallel_loop3A_12 = arith.constant 1 : i32
    scf.for %parallel_loop3A_35 = %parallel_loop3A_10 to %parallel_loop3A_11 step %parallel_loop3A_12  : i32 {
      %parallel_loop3A_36 = arith.constant 16 : i32
      %parallel_loop3A_37 = arith.muli %parallel_loop3A_35, %parallel_loop3A_36 : i32
      %parallel_loop3A_38 = arith.constant 128 : i32
      %parallel_loop3A_39 = arith.addi %parallel_loop3A_38, %parallel_loop3A_37 : i32
      %parallel_loop3A_40 = arith.index_cast %parallel_loop3A_39 : i32 to index
      %parallel_loop3A_41 = tpu.vector_load %arg5[%parallel_loop3A_40] {strides = array<i32>} : memref<25600xf32, #tpu.memory_space<vmem>>, vector<16xf32>,
      %parallel_loop3A_42 = vector.shape_cast %parallel_loop3A_41 : vector<16xf32> to vector<16xf32>
      %parallel_loop3A_43 = arith.constant 1.000000e+05 : f32
      %parallel_loop3A_44 = vector.broadcast %parallel_loop3A_43 : f32 to vector<16xf32>
      %parallel_loop3A_45 = arith.mulf %parallel_loop3A_42, %parallel_loop3A_44 : vector<16xf32>
      %parallel_loop3A_46 = arith.constant 0.000000e+00 : f32
      %parallel_loop3A_47 = arith.constant 9.999900e+04 : f32
      %parallel_loop3A_48 = vector.broadcast %parallel_loop3A_46 : f32 to vector<16xf32>
      %parallel_loop3A_49 = arith.maximumf %parallel_loop3A_48, %parallel_loop3A_45 : vector<16xf32>
      %parallel_loop3A_50 = vector.broadcast %parallel_loop3A_47 : f32 to vector<16xf32>
      %parallel_loop3A_51 = arith.minimumf %parallel_loop3A_50, %parallel_loop3A_49 : vector<16xf32>
      %parallel_loop3A_52 = arith.fptosi %parallel_loop3A_51 : vector<16xf32> to vector<16xi32>
      %parallel_loop3A_53 = arith.constant 16 : i32
      %parallel_loop3A_54 = arith.muli %parallel_loop3A_35, %parallel_loop3A_53 : i32
      %parallel_loop3A_55 = arith.index_cast %parallel_loop3A_54 : i32 to index
      %parallel_loop3A_56 = tpu.vector_load %arg7[%parallel_loop3A_55] {strides = array<i32>} : memref<128xi32, #tpu.memory_space<vmem>>, vector<16xi32>,
      %parallel_loop3A_57 = vector.shape_cast %parallel_loop3A_56 : vector<16xi32> to vector<16xi32>
      %parallel_loop3A_58 = vector.shape_cast %parallel_loop3A_52 : vector<16xi32> to vector<16xi32>
      tpu.vector_store %arg7[%parallel_loop3A_55], %parallel_loop3A_58 {strides = array<i32>} : memref<128xi32, #tpu.memory_space<vmem>>, vector<16xi32>,
      %parallel_loop3A_59 = arith.constant 1 : i32
      %parallel_loop3A_60 = vector.broadcast %parallel_loop3A_59 : i32 to vector<16xi32>
      %parallel_loop3A_61 = arith.addi %parallel_loop3A_52, %parallel_loop3A_60 : vector<16xi32>
      %parallel_loop3A_62 = arith.constant 99999 : i32
      %parallel_loop3A_63 = vector.broadcast %parallel_loop3A_62 : i32 to vector<16xi32>
      %parallel_loop3A_64 = arith.minsi %parallel_loop3A_61, %parallel_loop3A_63 : vector<16xi32>
      %parallel_loop3A_65 = arith.constant 16 : i32
      %parallel_loop3A_66 = arith.muli %parallel_loop3A_35, %parallel_loop3A_65 : i32
      %parallel_loop3A_67 = arith.index_cast %parallel_loop3A_66 : i32 to index
      %parallel_loop3A_68 = tpu.vector_load %arg9[%parallel_loop3A_67] {strides = array<i32>} : memref<128xi32, #tpu.memory_space<vmem>>, vector<16xi32>,
      %parallel_loop3A_69 = vector.shape_cast %parallel_loop3A_68 : vector<16xi32> to vector<16xi32>
      %parallel_loop3A_70 = vector.shape_cast %parallel_loop3A_64 : vector<16xi32> to vector<16xi32>
      tpu.vector_store %arg9[%parallel_loop3A_67], %parallel_loop3A_70 {strides = array<i32>} : memref<128xi32, #tpu.memory_space<vmem>>, vector<16xi32>,
      %parallel_loop3A_71 = arith.sitofp %parallel_loop3A_52 : vector<16xi32> to vector<16xf32>
      %parallel_loop3A_72 = arith.subf %parallel_loop3A_51, %parallel_loop3A_71 : vector<16xf32>
      %parallel_loop3A_73 = arith.constant 16 : i32
      %parallel_loop3A_74 = arith.muli %parallel_loop3A_35, %parallel_loop3A_73 : i32
      %parallel_loop3A_75 = arith.index_cast %parallel_loop3A_74 : i32 to index
      %parallel_loop3A_76 = tpu.vector_load %arg11[%parallel_loop3A_75] {strides = array<i32>} : memref<128xf32, #tpu.memory_space<vmem>>, vector<16xf32>,
      %parallel_loop3A_77 = vector.shape_cast %parallel_loop3A_76 : vector<16xf32> to vector<16xf32>
      %parallel_loop3A_78 = vector.shape_cast %parallel_loop3A_72 : vector<16xf32> to vector<16xf32>
      tpu.vector_store %arg11[%parallel_loop3A_75], %parallel_loop3A_78 {strides = array<i32>} : memref<128xf32, #tpu.memory_space<vmem>>, vector<16xf32>,
    } {sc.loop_unroll_factor = 1 : i64, sc.parallel_access}
    %dma_start3A_13 = arith.constant 0 : i32
    %dma_start3A_14 = arith.constant 0 : i32
    %dma_start3A_15 = tpu.memref_slice %arg3[%dma_start3A_13, %dma_start3A_14] : memref<100000x128xf32, #tpu.memory_space<hbm>> -> memref<100000x128xf32, #tpu.memory_space<hbm>>
    tpu.enqueue_indirect_dma source(%dma_start3A_15 : memref<100000x128xf32, #tpu.memory_space<hbm>>) target(%arg13 : memref<128x128xf32, #tpu.memory_space<vmem>>) offsets(%arg7 : memref<128xi32, #tpu.memory_space<vmem>>) semaphore(%arg19 : memref<!tpu.dma_semaphore, #tpu.memory_space<semaphore_mem>>)
    %dma_start3A_16 = arith.constant 0 : i32
    %dma_start3A_17 = arith.constant 0 : i32
    %dma_start3A_18 = tpu.memref_slice %arg3[%dma_start3A_16, %dma_start3A_17] : memref<100000x128xf32, #tpu.memory_space<hbm>> -> memref<100000x128xf32, #tpu.memory_space<hbm>>
    tpu.enqueue_indirect_dma source(%dma_start3A_18 : memref<100000x128xf32, #tpu.memory_space<hbm>>) target(%arg15 : memref<128x128xf32, #tpu.memory_space<vmem>>) offsets(%arg9 : memref<128xi32, #tpu.memory_space<vmem>>) semaphore(%arg19 : memref<!tpu.dma_semaphore, #tpu.memory_space<semaphore_mem>>)
    %scan3A = arith.constant 0 : i32
    %scan3A_19 = arith.constant 0 : i32
    %scan3A_20 = arith.constant 100 : i32
    %scan3A_21 = arith.addi %scan3A_19, %scan3A_20 : i32
    %scan3A_22 = arith.constant 1 : i32
    scf.for %scan3A_35 = %scan3A_19 to %scan3A_21 step %scan3A_22  : i32 {
      %mul3A_36 = arith.constant 2 : i32
      %mul3A_37 = arith.muli %scan3A_35, %mul3A_36 : i32
      %add3A_38 = arith.constant 0 : i32
      %add3A_39 = arith.addi %mul3A_37, %add3A_38 : i32
      %dma_wait3A_40 = arith.constant 0 : i32
      %dma_wait3A_41 = arith.constant 0 : i32
      %dma_wait3A_42 = tpu.memref_slice %arg3[%dma_wait3A_40, %dma_wait3A_41] : memref<100000x128xf32, #tpu.memory_space<hbm>> -> memref<100000x128xf32, #tpu.memory_space<hbm>>
      tpu.wait_indirect_dma semaphore(%arg18 : memref<!tpu.dma_semaphore, #tpu.memory_space<semaphore_mem>>) src(%dma_wait3A_42 : memref<100000x128xf32, #tpu.memory_space<hbm>>) dst(%arg12 : memref<128x128xf32, #tpu.memory_space<vmem>>)
      %dma_wait3A_43 = arith.constant 0 : i32
      %dma_wait3A_44 = arith.constant 0 : i32
      %dma_wait3A_45 = tpu.memref_slice %arg3[%dma_wait3A_43, %dma_wait3A_44] : memref<100000x128xf32, #tpu.memory_space<hbm>> -> memref<100000x128xf32, #tpu.memory_space<hbm>>
      tpu.wait_indirect_dma semaphore(%arg18 : memref<!tpu.dma_semaphore, #tpu.memory_space<semaphore_mem>>) src(%dma_wait3A_45 : memref<100000x128xf32, #tpu.memory_space<hbm>>) dst(%arg14 : memref<128x128xf32, #tpu.memory_space<vmem>>)
      %gt3A = arith.constant 0 : i32
      %gt3A_46 = arith.cmpi sgt, %scan3A_35, %gt3A : i32
      %convert_element_type3A = arith.extui %gt3A_46 : i1 to i32
      %cond3A = arith.constant 0 : i32
      %cond3A_47 = arith.cmpi ne, %convert_element_type3A, %cond3A : i32
      scf.if %cond3A_47 {
        %mul3A_96 = arith.constant 128 : i32
        %mul3A_97 = arith.muli %add3A_39, %mul3A_96 : i32
        %add3A_98 = arith.addi %mul3A_2, %mul3A_97 : i32
        %dma_wait3A_99 = arith.constant 0 : i32
        %dma_wait3A_100 = tpu.memref_slice %arg4[%add3A_98, %dma_wait3A_99] : memref<819200x128xf32, #tpu.memory_space<hbm>> -> memref<128x128xf32, #tpu.memory_space<hbm>>
        %dma_wait3A_101 = arith.constant 0 : i32
        %dma_wait3A_102 = tpu.memref_slice %arg4[%add3A_98, %dma_wait3A_101] : memref<819200x128xf32, #tpu.memory_space<hbm>> -> memref<128x128xf32, #tpu.memory_space<hbm>>
        tpu.wait_dma2 semaphore(%arg20 : memref<!tpu.dma_semaphore, #tpu.memory_space<semaphore_mem>>) src(%arg16 : memref<128x128xf32, #tpu.memory_space<vmem>>) dst(%dma_wait3A_102 : memref<128x128xf32, #tpu.memory_space<hbm>>)
      } else {
      }
      %parallel_loop3A_48 = arith.constant 0 : i32
      %parallel_loop3A_49 = arith.constant 128 : i32
      %parallel_loop3A_50 = arith.constant 1 : i32
      scf.for %parallel_loop3A_96 = %parallel_loop3A_48 to %parallel_loop3A_49 step %parallel_loop3A_50  : i32 {
        %parallel_loop3A_97 = arith.constant 16 : i32
        %parallel_loop3A_98 = arith.divsi %parallel_loop3A_96, %parallel_loop3A_97 : i32
        %parallel_loop3A_99 = arith.constant 0 : i32
        %parallel_loop3A_100 = arith.cmpi sgt, %parallel_loop3A_96, %parallel_loop3A_99 : i32
        %parallel_loop3A_101 = arith.extui %parallel_loop3A_100 : i1 to i32
        %parallel_loop3A_102 = arith.constant 0 : i32
        %parallel_loop3A_103 = arith.cmpi slt, %parallel_loop3A_96, %parallel_loop3A_102 : i32
        %parallel_loop3A_104 = arith.extui %parallel_loop3A_103 : i1 to i32
        %parallel_loop3A_105 = arith.subi %parallel_loop3A_101, %parallel_loop3A_104 : i32
        %parallel_loop3A_106 = arith.constant 0 : i32
        %parallel_loop3A_107 = arith.cmpi sgt, %parallel_loop3A_97, %parallel_loop3A_106 : i32
        %parallel_loop3A_108 = arith.extui %parallel_loop3A_107 : i1 to i32
        %parallel_loop3A_109 = arith.constant 0 : i32
        %parallel_loop3A_110 = arith.cmpi slt, %parallel_loop3A_97, %parallel_loop3A_109 : i32
        %parallel_loop3A_111 = arith.extui %parallel_loop3A_110 : i1 to i32
        %parallel_loop3A_112 = arith.subi %parallel_loop3A_108, %parallel_loop3A_111 : i32
        %parallel_loop3A_113 = arith.cmpi ne, %parallel_loop3A_105, %parallel_loop3A_112 : i32
        %parallel_loop3A_114 = arith.remsi %parallel_loop3A_96, %parallel_loop3A_97 : i32
        %parallel_loop3A_115 = arith.constant 0 : i32
        %parallel_loop3A_116 = arith.cmpi ne, %parallel_loop3A_114, %parallel_loop3A_115 : i32
        %parallel_loop3A_117 = arith.andi %parallel_loop3A_113, %parallel_loop3A_116 : i1
        %parallel_loop3A_118 = arith.constant 1 : i32
        %parallel_loop3A_119 = arith.subi %parallel_loop3A_98, %parallel_loop3A_118 : i32
        %parallel_loop3A_120 = arith.select %parallel_loop3A_117, %parallel_loop3A_119, %parallel_loop3A_98 : i32
        %parallel_loop3A_121 = arith.constant 16 : i32
        %parallel_loop3A_122 = arith.muli %parallel_loop3A_120, %parallel_loop3A_121 : i32
        %parallel_loop3A_123 = arith.index_cast %parallel_loop3A_122 : i32 to index
        %parallel_loop3A_124 = tpu.vector_load %arg10[%parallel_loop3A_123] {strides = array<i32>} : memref<128xf32, #tpu.memory_space<vmem>>, vector<16xf32>,
        %parallel_loop3A_125 = vector.shape_cast %parallel_loop3A_124 : vector<16xf32> to vector<16xf32>
        %parallel_loop3A_126 = arith.constant 16 : i32
        %parallel_loop3A_127 = arith.constant 0 : i32
        %parallel_loop3A_128 = arith.cmpi eq, %parallel_loop3A_126, %parallel_loop3A_127 : i32
        %parallel_loop3A_129 = arith.constant 1 : i32
        %parallel_loop3A_130 = arith.select %parallel_loop3A_128, %parallel_loop3A_129, %parallel_loop3A_126 : i32
        %parallel_loop3A_131 = arith.remsi %parallel_loop3A_96, %parallel_loop3A_130 : i32
        %parallel_loop3A_132 = arith.constant 0 : i32
        %parallel_loop3A_133 = arith.cmpi ne, %parallel_loop3A_131, %parallel_loop3A_132 : i32
        %parallel_loop3A_134 = arith.constant 0 : i32
        %parallel_loop3A_135 = arith.cmpi slt, %parallel_loop3A_131, %parallel_loop3A_134 : i32
        %parallel_loop3A_136 = arith.constant 0 : i32
        %parallel_loop3A_137 = arith.cmpi slt, %parallel_loop3A_130, %parallel_loop3A_136 : i32
        %parallel_loop3A_138 = arith.xori %parallel_loop3A_135, %parallel_loop3A_137 : i1
        %parallel_loop3A_139 = arith.andi %parallel_loop3A_138, %parallel_loop3A_133 : i1
        %parallel_loop3A_140 = arith.addi %parallel_loop3A_131, %parallel_loop3A_130 : i32
        %parallel_loop3A_141 = arith.select %parallel_loop3A_139, %parallel_loop3A_140, %parallel_loop3A_131 : i32
        %parallel_loop3A_142 = vector.broadcast %parallel_loop3A_141 : i32 to vector<16x1xi32>
        %parallel_loop3A_143 = vector.shape_cast %parallel_loop3A_142 : vector<16x1xi32> to vector<16xi32>
        %parallel_loop3A_144 = tpu.dynamic_gather %parallel_loop3A_125[%parallel_loop3A_143] in [0] : vector<16xf32>, vector<16xi32> -> vector<16xf32>
        %parallel_loop3A_145 = arith.constant 1.000000e+00 : f32
        %parallel_loop3A_146 = vector.broadcast %parallel_loop3A_145 : f32 to vector<16xf32>
        %parallel_loop3A_147 = arith.subf %parallel_loop3A_146, %parallel_loop3A_144 : vector<16xf32>
        %parallel_loop3A_148 = arith.index_cast %parallel_loop3A_96 : i32 to index
        %parallel_loop3A_149 = arith.constant 0 : index
        %parallel_loop3A_150 = tpu.vector_load %arg12[%parallel_loop3A_148, %parallel_loop3A_149] {strides = array<i32>} : memref<128x128xf32, #tpu.memory_space<vmem>>, vector<1x16xf32>,
        %parallel_loop3A_151 = vector.shape_cast %parallel_loop3A_150 : vector<1x16xf32> to vector<16xf32>
        %parallel_loop3A_152 = arith.index_cast %parallel_loop3A_96 : i32 to index
        %parallel_loop3A_153 = arith.constant 0 : index
        %parallel_loop3A_154 = tpu.vector_load %arg14[%parallel_loop3A_152, %parallel_loop3A_153] {strides = array<i32>} : memref<128x128xf32, #tpu.memory_space<vmem>>, vector<1x16xf32>,
        %parallel_loop3A_155 = vector.shape_cast %parallel_loop3A_154 : vector<1x16xf32> to vector<16xf32>
        %parallel_loop3A_156 = arith.mulf %parallel_loop3A_144, %parallel_loop3A_155 : vector<16xf32>
        %parallel_loop3A_157 = arith.mulf %parallel_loop3A_147, %parallel_loop3A_151 : vector<16xf32>
        %parallel_loop3A_158 = arith.addf %parallel_loop3A_156, %parallel_loop3A_157 : vector<16xf32>
        %parallel_loop3A_159 = arith.index_cast %parallel_loop3A_96 : i32 to index
        %parallel_loop3A_160 = arith.constant 0 : index
        %parallel_loop3A_161 = tpu.vector_load %arg16[%parallel_loop3A_159, %parallel_loop3A_160] {strides = array<i32>} : memref<128x128xf32, #tpu.memory_space<vmem>>, vector<1x16xf32>,
        %parallel_loop3A_162 = vector.shape_cast %parallel_loop3A_161 : vector<1x16xf32> to vector<16xf32>
        %parallel_loop3A_163 = vector.shape_cast %parallel_loop3A_158 : vector<16xf32> to vector<1x16xf32>
        tpu.vector_store %arg16[%parallel_loop3A_159, %parallel_loop3A_160], %parallel_loop3A_163 {strides = array<i32>} : memref<128x128xf32, #tpu.memory_space<vmem>>, vector<1x16xf32>,
        %parallel_loop3A_164 = arith.index_cast %parallel_loop3A_96 : i32 to index
        %parallel_loop3A_165 = arith.constant 16 : index
        %parallel_loop3A_166 = tpu.vector_load %arg12[%parallel_loop3A_164, %parallel_loop3A_165] {strides = array<i32>} : memref<128x128xf32, #tpu.memory_space<vmem>>, vector<1x16xf32>,
        %parallel_loop3A_167 = vector.shape_cast %parallel_loop3A_166 : vector<1x16xf32> to vector<16xf32>
        %parallel_loop3A_168 = arith.index_cast %parallel_loop3A_96 : i32 to index
        %parallel_loop3A_169 = arith.constant 16 : index
        %parallel_loop3A_170 = tpu.vector_load %arg14[%parallel_loop3A_168, %parallel_loop3A_169] {strides = array<i32>} : memref<128x128xf32, #tpu.memory_space<vmem>>, vector<1x16xf32>,
        %parallel_loop3A_171 = vector.shape_cast %parallel_loop3A_170 : vector<1x16xf32> to vector<16xf32>
        %parallel_loop3A_172 = arith.mulf %parallel_loop3A_144, %parallel_loop3A_171 : vector<16xf32>
        %parallel_loop3A_173 = arith.mulf %parallel_loop3A_147, %parallel_loop3A_167 : vector<16xf32>
        %parallel_loop3A_174 = arith.addf %parallel_loop3A_172, %parallel_loop3A_173 : vector<16xf32>
        %parallel_loop3A_175 = arith.index_cast %parallel_loop3A_96 : i32 to index
        %parallel_loop3A_176 = arith.constant 16 : index
        %parallel_loop3A_177 = tpu.vector_load %arg16[%parallel_loop3A_175, %parallel_loop3A_176] {strides = array<i32>} : memref<128x128xf32, #tpu.memory_space<vmem>>, vector<1x16xf32>,
        %parallel_loop3A_178 = vector.shape_cast %parallel_loop3A_177 : vector<1x16xf32> to vector<16xf32>
        %parallel_loop3A_179 = vector.shape_cast %parallel_loop3A_174 : vector<16xf32> to vector<1x16xf32>
        tpu.vector_store %arg16[%parallel_loop3A_175, %parallel_loop3A_176], %parallel_loop3A_179 {strides = array<i32>} : memref<128x128xf32, #tpu.memory_space<vmem>>, vector<1x16xf32>,
        %parallel_loop3A_180 = arith.index_cast %parallel_loop3A_96 : i32 to index
        %parallel_loop3A_181 = arith.constant 32 : index
        %parallel_loop3A_182 = tpu.vector_load %arg12[%parallel_loop3A_180, %parallel_loop3A_181] {strides = array<i32>} : memref<128x128xf32, #tpu.memory_space<vmem>>, vector<1x16xf32>,
        %parallel_loop3A_183 = vector.shape_cast %parallel_loop3A_182 : vector<1x16xf32> to vector<16xf32>
        %parallel_loop3A_184 = arith.index_cast %parallel_loop3A_96 : i32 to index
        %parallel_loop3A_185 = arith.constant 32 : index
        %parallel_loop3A_186 = tpu.vector_load %arg14[%parallel_loop3A_184, %parallel_loop3A_185] {strides = array<i32>} : memref<128x128xf32, #tpu.memory_space<vmem>>, vector<1x16xf32>,
        %parallel_loop3A_187 = vector.shape_cast %parallel_loop3A_186 : vector<1x16xf32> to vector<16xf32>
        %parallel_loop3A_188 = arith.mulf %parallel_loop3A_144, %parallel_loop3A_187 : vector<16xf32>
        %parallel_loop3A_189 = arith.mulf %parallel_loop3A_147, %parallel_loop3A_183 : vector<16xf32>
        %parallel_loop3A_190 = arith.addf %parallel_loop3A_188, %parallel_loop3A_189 : vector<16xf32>
        %parallel_loop3A_191 = arith.index_cast %parallel_loop3A_96 : i32 to index
        %parallel_loop3A_192 = arith.constant 32 : index
        %parallel_loop3A_193 = tpu.vector_load %arg16[%parallel_loop3A_191, %parallel_loop3A_192] {strides = array<i32>} : memref<128x128xf32, #tpu.memory_space<vmem>>, vector<1x16xf32>,
        %parallel_loop3A_194 = vector.shape_cast %parallel_loop3A_193 : vector<1x16xf32> to vector<16xf32>
        %parallel_loop3A_195 = vector.shape_cast %parallel_loop3A_190 : vector<16xf32> to vector<1x16xf32>
        tpu.vector_store %arg16[%parallel_loop3A_191, %parallel_loop3A_192], %parallel_loop3A_195 {strides = array<i32>} : memref<128x128xf32, #tpu.memory_space<vmem>>, vector<1x16xf32>,
        %parallel_loop3A_196 = arith.index_cast %parallel_loop3A_96 : i32 to index
        %parallel_loop3A_197 = arith.constant 48 : index
        %parallel_loop3A_198 = tpu.vector_load %arg12[%parallel_loop3A_196, %parallel_loop3A_197] {strides = array<i32>} : memref<128x128xf32, #tpu.memory_space<vmem>>, vector<1x16xf32>,
        %parallel_loop3A_199 = vector.shape_cast %parallel_loop3A_198 : vector<1x16xf32> to vector<16xf32>
        %parallel_loop3A_200 = arith.index_cast %parallel_loop3A_96 : i32 to index
        %parallel_loop3A_201 = arith.constant 48 : index
        %parallel_loop3A_202 = tpu.vector_load %arg14[%parallel_loop3A_200, %parallel_loop3A_201] {strides = array<i32>} : memref<128x128xf32, #tpu.memory_space<vmem>>, vector<1x16xf32>,
        %parallel_loop3A_203 = vector.shape_cast %parallel_loop3A_202 : vector<1x16xf32> to vector<16xf32>
        %parallel_loop3A_204 = arith.mulf %parallel_loop3A_144, %parallel_loop3A_203 : vector<16xf32>
        %parallel_loop3A_205 = arith.mulf %parallel_loop3A_147, %parallel_loop3A_199 : vector<16xf32>
        %parallel_loop3A_206 = arith.addf %parallel_loop3A_204, %parallel_loop3A_205 : vector<16xf32>
        %parallel_loop3A_207 = arith.index_cast %parallel_loop3A_96 : i32 to index
        %parallel_loop3A_208 = arith.constant 48 : index
        %parallel_loop3A_209 = tpu.vector_load %arg16[%parallel_loop3A_207, %parallel_loop3A_208] {strides = array<i32>} : memref<128x128xf32, #tpu.memory_space<vmem>>, vector<1x16xf32>,
        %parallel_loop3A_210 = vector.shape_cast %parallel_loop3A_209 : vector<1x16xf32> to vector<16xf32>
        %parallel_loop3A_211 = vector.shape_cast %parallel_loop3A_206 : vector<16xf32> to vector<1x16xf32>
        tpu.vector_store %arg16[%parallel_loop3A_207, %parallel_loop3A_208], %parallel_loop3A_211 {strides = array<i32>} : memref<128x128xf32, #tpu.memory_space<vmem>>, vector<1x16xf32>,
        %parallel_loop3A_212 = arith.index_cast %parallel_loop3A_96 : i32 to index
        %parallel_loop3A_213 = arith.constant 64 : index
        %parallel_loop3A_214 = tpu.vector_load %arg12[%parallel_loop3A_212, %parallel_loop3A_213] {strides = array<i32>} : memref<128x128xf32, #tpu.memory_space<vmem>>, vector<1x16xf32>,
        %parallel_loop3A_215 = vector.shape_cast %parallel_loop3A_214 : vector<1x16xf32> to vector<16xf32>
        %parallel_loop3A_216 = arith.index_cast %parallel_loop3A_96 : i32 to index
        %parallel_loop3A_217 = arith.constant 64 : index
        %parallel_loop3A_218 = tpu.vector_load %arg14[%parallel_loop3A_216, %parallel_loop3A_217] {strides = array<i32>} : memref<128x128xf32, #tpu.memory_space<vmem>>, vector<1x16xf32>,
        %parallel_loop3A_219 = vector.shape_cast %parallel_loop3A_218 : vector<1x16xf32> to vector<16xf32>
        %parallel_loop3A_220 = arith.mulf %parallel_loop3A_144, %parallel_loop3A_219 : vector<16xf32>
        %parallel_loop3A_221 = arith.mulf %parallel_loop3A_147, %parallel_loop3A_215 : vector<16xf32>
        %parallel_loop3A_222 = arith.addf %parallel_loop3A_220, %parallel_loop3A_221 : vector<16xf32>
        %parallel_loop3A_223 = arith.index_cast %parallel_loop3A_96 : i32 to index
        %parallel_loop3A_224 = arith.constant 64 : index
        %parallel_loop3A_225 = tpu.vector_load %arg16[%parallel_loop3A_223, %parallel_loop3A_224] {strides = array<i32>} : memref<128x128xf32, #tpu.memory_space<vmem>>, vector<1x16xf32>,
        %parallel_loop3A_226 = vector.shape_cast %parallel_loop3A_225 : vector<1x16xf32> to vector<16xf32>
        %parallel_loop3A_227 = vector.shape_cast %parallel_loop3A_222 : vector<16xf32> to vector<1x16xf32>
        tpu.vector_store %arg16[%parallel_loop3A_223, %parallel_loop3A_224], %parallel_loop3A_227 {strides = array<i32>} : memref<128x128xf32, #tpu.memory_space<vmem>>, vector<1x16xf32>,
        %parallel_loop3A_228 = arith.index_cast %parallel_loop3A_96 : i32 to index
        %parallel_loop3A_229 = arith.constant 80 : index
        %parallel_loop3A_230 = tpu.vector_load %arg12[%parallel_loop3A_228, %parallel_loop3A_229] {strides = array<i32>} : memref<128x128xf32, #tpu.memory_space<vmem>>, vector<1x16xf32>,
        %parallel_loop3A_231 = vector.shape_cast %parallel_loop3A_230 : vector<1x16xf32> to vector<16xf32>
        %parallel_loop3A_232 = arith.index_cast %parallel_loop3A_96 : i32 to index
        %parallel_loop3A_233 = arith.constant 80 : index
        %parallel_loop3A_234 = tpu.vector_load %arg14[%parallel_loop3A_232, %parallel_loop3A_233] {strides = array<i32>} : memref<128x128xf32, #tpu.memory_space<vmem>>, vector<1x16xf32>,
        %parallel_loop3A_235 = vector.shape_cast %parallel_loop3A_234 : vector<1x16xf32> to vector<16xf32>
        %parallel_loop3A_236 = arith.mulf %parallel_loop3A_144, %parallel_loop3A_235 : vector<16xf32>
        %parallel_loop3A_237 = arith.mulf %parallel_loop3A_147, %parallel_loop3A_231 : vector<16xf32>
        %parallel_loop3A_238 = arith.addf %parallel_loop3A_236, %parallel_loop3A_237 : vector<16xf32>
        %parallel_loop3A_239 = arith.index_cast %parallel_loop3A_96 : i32 to index
        %parallel_loop3A_240 = arith.constant 80 : index
        %parallel_loop3A_241 = tpu.vector_load %arg16[%parallel_loop3A_239, %parallel_loop3A_240] {strides = array<i32>} : memref<128x128xf32, #tpu.memory_space<vmem>>, vector<1x16xf32>,
        %parallel_loop3A_242 = vector.shape_cast %parallel_loop3A_241 : vector<1x16xf32> to vector<16xf32>
        %parallel_loop3A_243 = vector.shape_cast %parallel_loop3A_238 : vector<16xf32> to vector<1x16xf32>
        tpu.vector_store %arg16[%parallel_loop3A_239, %parallel_loop3A_240], %parallel_loop3A_243 {strides = array<i32>} : memref<128x128xf32, #tpu.memory_space<vmem>>, vector<1x16xf32>,
        %parallel_loop3A_244 = arith.index_cast %parallel_loop3A_96 : i32 to index
        %parallel_loop3A_245 = arith.constant 96 : index
        %parallel_loop3A_246 = tpu.vector_load %arg12[%parallel_loop3A_244, %parallel_loop3A_245] {strides = array<i32>} : memref<128x128xf32, #tpu.memory_space<vmem>>, vector<1x16xf32>,
        %parallel_loop3A_247 = vector.shape_cast %parallel_loop3A_246 : vector<1x16xf32> to vector<16xf32>
        %parallel_loop3A_248 = arith.index_cast %parallel_loop3A_96 : i32 to index
        %parallel_loop3A_249 = arith.constant 96 : index
        %parallel_loop3A_250 = tpu.vector_load %arg14[%parallel_loop3A_248, %parallel_loop3A_249] {strides = array<i32>} : memref<128x128xf32, #tpu.memory_space<vmem>>, vector<1x16xf32>,
        %parallel_loop3A_251 = vector.shape_cast %parallel_loop3A_250 : vector<1x16xf32> to vector<16xf32>
        %parallel_loop3A_252 = arith.mulf %parallel_loop3A_144, %parallel_loop3A_251 : vector<16xf32>
        %parallel_loop3A_253 = arith.mulf %parallel_loop3A_147, %parallel_loop3A_247 : vector<16xf32>
        %parallel_loop3A_254 = arith.addf %parallel_loop3A_252, %parallel_loop3A_253 : vector<16xf32>
        %parallel_loop3A_255 = arith.index_cast %parallel_loop3A_96 : i32 to index
        %parallel_loop3A_256 = arith.constant 96 : index
        %parallel_loop3A_257 = tpu.vector_load %arg16[%parallel_loop3A_255, %parallel_loop3A_256] {strides = array<i32>} : memref<128x128xf32, #tpu.memory_space<vmem>>, vector<1x16xf32>,
        %parallel_loop3A_258 = vector.shape_cast %parallel_loop3A_257 : vector<1x16xf32> to vector<16xf32>
        %parallel_loop3A_259 = vector.shape_cast %parallel_loop3A_254 : vector<16xf32> to vector<1x16xf32>
        tpu.vector_store %arg16[%parallel_loop3A_255, %parallel_loop3A_256], %parallel_loop3A_259 {strides = array<i32>} : memref<128x128xf32, #tpu.memory_space<vmem>>, vector<1x16xf32>,
        %parallel_loop3A_260 = arith.index_cast %parallel_loop3A_96 : i32 to index
        %parallel_loop3A_261 = arith.constant 112 : index
        %parallel_loop3A_262 = tpu.vector_load %arg12[%parallel_loop3A_260, %parallel_loop3A_261] {strides = array<i32>} : memref<128x128xf32, #tpu.memory_space<vmem>>, vector<1x16xf32>,
        %parallel_loop3A_263 = vector.shape_cast %parallel_loop3A_262 : vector<1x16xf32> to vector<16xf32>
        %parallel_loop3A_264 = arith.index_cast %parallel_loop3A_96 : i32 to index
        %parallel_loop3A_265 = arith.constant 112 : index
        %parallel_loop3A_266 = tpu.vector_load %arg14[%parallel_loop3A_264, %parallel_loop3A_265] {strides = array<i32>} : memref<128x128xf32, #tpu.memory_space<vmem>>, vector<1x16xf32>,
        %parallel_loop3A_267 = vector.shape_cast %parallel_loop3A_266 : vector<1x16xf32> to vector<16xf32>
        %parallel_loop3A_268 = arith.mulf %parallel_loop3A_144, %parallel_loop3A_267 : vector<16xf32>
        %parallel_loop3A_269 = arith.mulf %parallel_loop3A_147, %parallel_loop3A_263 : vector<16xf32>
        %parallel_loop3A_270 = arith.addf %parallel_loop3A_268, %parallel_loop3A_269 : vector<16xf32>
        %parallel_loop3A_271 = arith.index_cast %parallel_loop3A_96 : i32 to index
        %parallel_loop3A_272 = arith.constant 112 : index
        %parallel_loop3A_273 = tpu.vector_load %arg16[%parallel_loop3A_271, %parallel_loop3A_272] {strides = array<i32>} : memref<128x128xf32, #tpu.memory_space<vmem>>, vector<1x16xf32>,
        %parallel_loop3A_274 = vector.shape_cast %parallel_loop3A_273 : vector<1x16xf32> to vector<16xf32>
        %parallel_loop3A_275 = vector.shape_cast %parallel_loop3A_270 : vector<16xf32> to vector<1x16xf32>
        tpu.vector_store %arg16[%parallel_loop3A_271, %parallel_loop3A_272], %parallel_loop3A_275 {strides = array<i32>} : memref<128x128xf32, #tpu.memory_space<vmem>>, vector<1x16xf32>,
      } {sc.loop_unroll_factor = 1 : i64, sc.parallel_access}
      %mul3A_51 = arith.constant 128 : i32
      %mul3A_52 = arith.muli %add3A_39, %mul3A_51 : i32
      %add3A_53 = arith.addi %mul3A_2, %mul3A_52 : i32
      %dma_start3A_54 = arith.constant 0 : i32
      %dma_start3A_55 = tpu.memref_slice %arg4[%add3A_53, %dma_start3A_54] : memref<819200x128xf32, #tpu.memory_space<hbm>> -> memref<128x128xf32, #tpu.memory_space<hbm>>
      %dma_start3A_56 = arith.constant 0 : i32
      %dma_start3A_57 = tpu.memref_slice %arg4[%add3A_53, %dma_start3A_56] : memref<819200x128xf32, #tpu.memory_space<hbm>> -> memref<128x128xf32, #tpu.memory_space<hbm>>
      tpu.enqueue_dma source(%arg16 : memref<128x128xf32, #tpu.memory_space<vmem>>) target(%dma_start3A_57 : memref<128x128xf32, #tpu.memory_space<hbm>>) target_semaphore(%arg20 : memref<!tpu.dma_semaphore, #tpu.memory_space<semaphore_mem>>)
      %add3A_58 = arith.constant 2 : i32
      %add3A_59 = arith.addi %add3A_39, %add3A_58 : i32
      %lt3A = arith.constant 200 : i32
      %lt3A_60 = arith.cmpi slt, %add3A_59, %lt3A : i32
      %convert_element_type3A_61 = arith.extui %lt3A_60 : i1 to i32
      %cond3A_62 = arith.constant 0 : i32
      %cond3A_63 = arith.cmpi ne, %convert_element_type3A_61, %cond3A_62 : i32
      scf.if %cond3A_63 {
        %mul3A_96 = arith.constant 128 : i32
        %mul3A_97 = arith.muli %add3A_59, %mul3A_96 : i32
        %parallel_loop3A_98 = arith.constant 0 : i32
        %parallel_loop3A_99 = arith.constant 8 : i32
        %parallel_loop3A_100 = arith.constant 1 : i32
        scf.for %parallel_loop3A_107 = %parallel_loop3A_98 to %parallel_loop3A_99 step %parallel_loop3A_100  : i32 {
          %parallel_loop3A_108 = arith.constant 16 : i32
          %parallel_loop3A_109 = arith.muli %parallel_loop3A_107, %parallel_loop3A_108 : i32
          %parallel_loop3A_110 = arith.addi %mul3A_97, %parallel_loop3A_109 : i32
          %parallel_loop3A_111 = arith.index_cast %parallel_loop3A_110 : i32 to index
          %parallel_loop3A_112 = tpu.vector_load %arg5[%parallel_loop3A_111] {strides = array<i32>} : memref<25600xf32, #tpu.memory_space<vmem>>, vector<16xf32>,
          %parallel_loop3A_113 = vector.shape_cast %parallel_loop3A_112 : vector<16xf32> to vector<16xf32>
          %parallel_loop3A_114 = arith.constant 1.000000e+05 : f32
          %parallel_loop3A_115 = vector.broadcast %parallel_loop3A_114 : f32 to vector<16xf32>
          %parallel_loop3A_116 = arith.mulf %parallel_loop3A_113, %parallel_loop3A_115 : vector<16xf32>
          %parallel_loop3A_117 = arith.constant 0.000000e+00 : f32
          %parallel_loop3A_118 = arith.constant 9.999900e+04 : f32
          %parallel_loop3A_119 = vector.broadcast %parallel_loop3A_117 : f32 to vector<16xf32>
          %parallel_loop3A_120 = arith.maximumf %parallel_loop3A_119, %parallel_loop3A_116 : vector<16xf32>
          %parallel_loop3A_121 = vector.broadcast %parallel_loop3A_118 : f32 to vector<16xf32>
          %parallel_loop3A_122 = arith.minimumf %parallel_loop3A_121, %parallel_loop3A_120 : vector<16xf32>
          %parallel_loop3A_123 = arith.fptosi %parallel_loop3A_122 : vector<16xf32> to vector<16xi32>
          %parallel_loop3A_124 = arith.constant 16 : i32
          %parallel_loop3A_125 = arith.muli %parallel_loop3A_107, %parallel_loop3A_124 : i32
          %parallel_loop3A_126 = arith.index_cast %parallel_loop3A_125 : i32 to index
          %parallel_loop3A_127 = tpu.vector_load %arg6[%parallel_loop3A_126] {strides = array<i32>} : memref<128xi32, #tpu.memory_space<vmem>>, vector<16xi32>,
          %parallel_loop3A_128 = vector.shape_cast %parallel_loop3A_127 : vector<16xi32> to vector<16xi32>
          %parallel_loop3A_129 = vector.shape_cast %parallel_loop3A_123 : vector<16xi32> to vector<16xi32>
          tpu.vector_store %arg6[%parallel_loop3A_126], %parallel_loop3A_129 {strides = array<i32>} : memref<128xi32, #tpu.memory_space<vmem>>, vector<16xi32>,
          %parallel_loop3A_130 = arith.constant 1 : i32
          %parallel_loop3A_131 = vector.broadcast %parallel_loop3A_130 : i32 to vector<16xi32>
          %parallel_loop3A_132 = arith.addi %parallel_loop3A_123, %parallel_loop3A_131 : vector<16xi32>
          %parallel_loop3A_133 = arith.constant 99999 : i32
          %parallel_loop3A_134 = vector.broadcast %parallel_loop3A_133 : i32 to vector<16xi32>
          %parallel_loop3A_135 = arith.minsi %parallel_loop3A_132, %parallel_loop3A_134 : vector<16xi32>
          %parallel_loop3A_136 = arith.constant 16 : i32
          %parallel_loop3A_137 = arith.muli %parallel_loop3A_107, %parallel_loop3A_136 : i32
          %parallel_loop3A_138 = arith.index_cast %parallel_loop3A_137 : i32 to index
          %parallel_loop3A_139 = tpu.vector_load %arg8[%parallel_loop3A_138] {strides = array<i32>} : memref<128xi32, #tpu.memory_space<vmem>>, vector<16xi32>,
          %parallel_loop3A_140 = vector.shape_cast %parallel_loop3A_139 : vector<16xi32> to vector<16xi32>
          %parallel_loop3A_141 = vector.shape_cast %parallel_loop3A_135 : vector<16xi32> to vector<16xi32>
          tpu.vector_store %arg8[%parallel_loop3A_138], %parallel_loop3A_141 {strides = array<i32>} : memref<128xi32, #tpu.memory_space<vmem>>, vector<16xi32>,
          %parallel_loop3A_142 = arith.sitofp %parallel_loop3A_123 : vector<16xi32> to vector<16xf32>
          %parallel_loop3A_143 = arith.subf %parallel_loop3A_122, %parallel_loop3A_142 : vector<16xf32>
          %parallel_loop3A_144 = arith.constant 16 : i32
          %parallel_loop3A_145 = arith.muli %parallel_loop3A_107, %parallel_loop3A_144 : i32
          %parallel_loop3A_146 = arith.index_cast %parallel_loop3A_145 : i32 to index
          %parallel_loop3A_147 = tpu.vector_load %arg10[%parallel_loop3A_146] {strides = array<i32>} : memref<128xf32, #tpu.memory_space<vmem>>, vector<16xf32>,
          %parallel_loop3A_148 = vector.shape_cast %parallel_loop3A_147 : vector<16xf32> to vector<16xf32>
          %parallel_loop3A_149 = vector.shape_cast %parallel_loop3A_143 : vector<16xf32> to vector<16xf32>
          tpu.vector_store %arg10[%parallel_loop3A_146], %parallel_loop3A_149 {strides = array<i32>} : memref<128xf32, #tpu.memory_space<vmem>>, vector<16xf32>,
        } {sc.loop_unroll_factor = 1 : i64, sc.parallel_access}
        %dma_start3A_101 = arith.constant 0 : i32
        %dma_start3A_102 = arith.constant 0 : i32
        %dma_start3A_103 = tpu.memref_slice %arg3[%dma_start3A_101, %dma_start3A_102] : memref<100000x128xf32, #tpu.memory_space<hbm>> -> memref<100000x128xf32, #tpu.memory_space<hbm>>
        tpu.enqueue_indirect_dma source(%dma_start3A_103 : memref<100000x128xf32, #tpu.memory_space<hbm>>) target(%arg12 : memref<128x128xf32, #tpu.memory_space<vmem>>) offsets(%arg6 : memref<128xi32, #tpu.memory_space<vmem>>) semaphore(%arg18 : memref<!tpu.dma_semaphore, #tpu.memory_space<semaphore_mem>>)
        %dma_start3A_104 = arith.constant 0 : i32
        %dma_start3A_105 = arith.constant 0 : i32
        %dma_start3A_106 = tpu.memref_slice %arg3[%dma_start3A_104, %dma_start3A_105] : memref<100000x128xf32, #tpu.memory_space<hbm>> -> memref<100000x128xf32, #tpu.memory_space<hbm>>
        tpu.enqueue_indirect_dma source(%dma_start3A_106 : memref<100000x128xf32, #tpu.memory_space<hbm>>) target(%arg14 : memref<128x128xf32, #tpu.memory_space<vmem>>) offsets(%arg8 : memref<128xi32, #tpu.memory_space<vmem>>) semaphore(%arg18 : memref<!tpu.dma_semaphore, #tpu.memory_space<semaphore_mem>>)
      } else {
      }
      %mul3A_64 = arith.constant 2 : i32
      %mul3A_65 = arith.muli %scan3A_35, %mul3A_64 : i32
      %add3A_66 = arith.constant 1 : i32
      %add3A_67 = arith.addi %mul3A_65, %add3A_66 : i32
      %dma_wait3A_68 = arith.constant 0 : i32
      %dma_wait3A_69 = arith.constant 0 : i32
      %dma_wait3A_70 = tpu.memref_slice %arg3[%dma_wait3A_68, %dma_wait3A_69] : memref<100000x128xf32, #tpu.memory_space<hbm>> -> memref<100000x128xf32, #tpu.memory_space<hbm>>
      tpu.wait_indirect_dma semaphore(%arg19 : memref<!tpu.dma_semaphore, #tpu.memory_space<semaphore_mem>>) src(%dma_wait3A_70 : memref<100000x128xf32, #tpu.memory_space<hbm>>) dst(%arg13 : memref<128x128xf32, #tpu.memory_space<vmem>>)
      %dma_wait3A_71 = arith.constant 0 : i32
      %dma_wait3A_72 = arith.constant 0 : i32
      %dma_wait3A_73 = tpu.memref_slice %arg3[%dma_wait3A_71, %dma_wait3A_72] : memref<100000x128xf32, #tpu.memory_space<hbm>> -> memref<100000x128xf32, #tpu.memory_space<hbm>>
      tpu.wait_indirect_dma semaphore(%arg19 : memref<!tpu.dma_semaphore, #tpu.memory_space<semaphore_mem>>) src(%dma_wait3A_73 : memref<100000x128xf32, #tpu.memory_space<hbm>>) dst(%arg15 : memref<128x128xf32, #tpu.memory_space<vmem>>)
      %gt3A_74 = arith.constant 0 : i32
      %gt3A_75 = arith.cmpi sgt, %scan3A_35, %gt3A_74 : i32
      %convert_element_type3A_76 = arith.extui %gt3A_75 : i1 to i32
      %cond3A_77 = arith.constant 0 : i32
      %cond3A_78 = arith.cmpi ne, %convert_element_type3A_76, %cond3A_77 : i32
      scf.if %cond3A_78 {
        %mul3A_96 = arith.constant 128 : i32
        %mul3A_97 = arith.muli %add3A_67, %mul3A_96 : i32
        %add3A_98 = arith.addi %mul3A_2, %mul3A_97 : i32
        %dma_wait3A_99 = arith.constant 0 : i32
        %dma_wait3A_100 = tpu.memref_slice %arg4[%add3A_98, %dma_wait3A_99] : memref<819200x128xf32, #tpu.memory_space<hbm>> -> memref<128x128xf32, #tpu.memory_space<hbm>>
        %dma_wait3A_101 = arith.constant 0 : i32
        %dma_wait3A_102 = tpu.memref_slice %arg4[%add3A_98, %dma_wait3A_101] : memref<819200x128xf32, #tpu.memory_space<hbm>> -> memref<128x128xf32, #tpu.memory_space<hbm>>
        tpu.wait_dma2 semaphore(%arg21 : memref<!tpu.dma_semaphore, #tpu.memory_space<semaphore_mem>>) src(%arg17 : memref<128x128xf32, #tpu.memory_space<vmem>>) dst(%dma_wait3A_102 : memref<128x128xf32, #tpu.memory_space<hbm>>)
      } else {
      }
      %parallel_loop3A_79 = arith.constant 0 : i32
      %parallel_loop3A_80 = arith.constant 128 : i32
      %parallel_loop3A_81 = arith.constant 1 : i32
      scf.for %parallel_loop3A_96 = %parallel_loop3A_79 to %parallel_loop3A_80 step %parallel_loop3A_81  : i32 {
        %parallel_loop3A_97 = arith.constant 16 : i32
        %parallel_loop3A_98 = arith.divsi %parallel_loop3A_96, %parallel_loop3A_97 : i32
        %parallel_loop3A_99 = arith.constant 0 : i32
        %parallel_loop3A_100 = arith.cmpi sgt, %parallel_loop3A_96, %parallel_loop3A_99 : i32
        %parallel_loop3A_101 = arith.extui %parallel_loop3A_100 : i1 to i32
        %parallel_loop3A_102 = arith.constant 0 : i32
        %parallel_loop3A_103 = arith.cmpi slt, %parallel_loop3A_96, %parallel_loop3A_102 : i32
        %parallel_loop3A_104 = arith.extui %parallel_loop3A_103 : i1 to i32
        %parallel_loop3A_105 = arith.subi %parallel_loop3A_101, %parallel_loop3A_104 : i32
        %parallel_loop3A_106 = arith.constant 0 : i32
        %parallel_loop3A_107 = arith.cmpi sgt, %parallel_loop3A_97, %parallel_loop3A_106 : i32
        %parallel_loop3A_108 = arith.extui %parallel_loop3A_107 : i1 to i32
        %parallel_loop3A_109 = arith.constant 0 : i32
        %parallel_loop3A_110 = arith.cmpi slt, %parallel_loop3A_97, %parallel_loop3A_109 : i32
        %parallel_loop3A_111 = arith.extui %parallel_loop3A_110 : i1 to i32
        %parallel_loop3A_112 = arith.subi %parallel_loop3A_108, %parallel_loop3A_111 : i32
        %parallel_loop3A_113 = arith.cmpi ne, %parallel_loop3A_105, %parallel_loop3A_112 : i32
        %parallel_loop3A_114 = arith.remsi %parallel_loop3A_96, %parallel_loop3A_97 : i32
        %parallel_loop3A_115 = arith.constant 0 : i32
        %parallel_loop3A_116 = arith.cmpi ne, %parallel_loop3A_114, %parallel_loop3A_115 : i32
        %parallel_loop3A_117 = arith.andi %parallel_loop3A_113, %parallel_loop3A_116 : i1
        %parallel_loop3A_118 = arith.constant 1 : i32
        %parallel_loop3A_119 = arith.subi %parallel_loop3A_98, %parallel_loop3A_118 : i32
        %parallel_loop3A_120 = arith.select %parallel_loop3A_117, %parallel_loop3A_119, %parallel_loop3A_98 : i32
        %parallel_loop3A_121 = arith.constant 16 : i32
        %parallel_loop3A_122 = arith.muli %parallel_loop3A_120, %parallel_loop3A_121 : i32
        %parallel_loop3A_123 = arith.index_cast %parallel_loop3A_122 : i32 to index
        %parallel_loop3A_124 = tpu.vector_load %arg11[%parallel_loop3A_123] {strides = array<i32>} : memref<128xf32, #tpu.memory_space<vmem>>, vector<16xf32>,
        %parallel_loop3A_125 = vector.shape_cast %parallel_loop3A_124 : vector<16xf32> to vector<16xf32>
        %parallel_loop3A_126 = arith.constant 16 : i32
        %parallel_loop3A_127 = arith.constant 0 : i32
        %parallel_loop3A_128 = arith.cmpi eq, %parallel_loop3A_126, %parallel_loop3A_127 : i32
        %parallel_loop3A_129 = arith.constant 1 : i32
        %parallel_loop3A_130 = arith.select %parallel_loop3A_128, %parallel_loop3A_129, %parallel_loop3A_126 : i32
        %parallel_loop3A_131 = arith.remsi %parallel_loop3A_96, %parallel_loop3A_130 : i32
        %parallel_loop3A_132 = arith.constant 0 : i32
        %parallel_loop3A_133 = arith.cmpi ne, %parallel_loop3A_131, %parallel_loop3A_132 : i32
        %parallel_loop3A_134 = arith.constant 0 : i32
        %parallel_loop3A_135 = arith.cmpi slt, %parallel_loop3A_131, %parallel_loop3A_134 : i32
        %parallel_loop3A_136 = arith.constant 0 : i32
        %parallel_loop3A_137 = arith.cmpi slt, %parallel_loop3A_130, %parallel_loop3A_136 : i32
        %parallel_loop3A_138 = arith.xori %parallel_loop3A_135, %parallel_loop3A_137 : i1
        %parallel_loop3A_139 = arith.andi %parallel_loop3A_138, %parallel_loop3A_133 : i1
        %parallel_loop3A_140 = arith.addi %parallel_loop3A_131, %parallel_loop3A_130 : i32
        %parallel_loop3A_141 = arith.select %parallel_loop3A_139, %parallel_loop3A_140, %parallel_loop3A_131 : i32
        %parallel_loop3A_142 = vector.broadcast %parallel_loop3A_141 : i32 to vector<16x1xi32>
        %parallel_loop3A_143 = vector.shape_cast %parallel_loop3A_142 : vector<16x1xi32> to vector<16xi32>
        %parallel_loop3A_144 = tpu.dynamic_gather %parallel_loop3A_125[%parallel_loop3A_143] in [0] : vector<16xf32>, vector<16xi32> -> vector<16xf32>
        %parallel_loop3A_145 = arith.constant 1.000000e+00 : f32
        %parallel_loop3A_146 = vector.broadcast %parallel_loop3A_145 : f32 to vector<16xf32>
        %parallel_loop3A_147 = arith.subf %parallel_loop3A_146, %parallel_loop3A_144 : vector<16xf32>
        %parallel_loop3A_148 = arith.index_cast %parallel_loop3A_96 : i32 to index
        %parallel_loop3A_149 = arith.constant 0 : index
        %parallel_loop3A_150 = tpu.vector_load %arg13[%parallel_loop3A_148, %parallel_loop3A_149] {strides = array<i32>} : memref<128x128xf32, #tpu.memory_space<vmem>>, vector<1x16xf32>,
        %parallel_loop3A_151 = vector.shape_cast %parallel_loop3A_150 : vector<1x16xf32> to vector<16xf32>
        %parallel_loop3A_152 = arith.index_cast %parallel_loop3A_96 : i32 to index
        %parallel_loop3A_153 = arith.constant 0 : index
        %parallel_loop3A_154 = tpu.vector_load %arg15[%parallel_loop3A_152, %parallel_loop3A_153] {strides = array<i32>} : memref<128x128xf32, #tpu.memory_space<vmem>>, vector<1x16xf32>,
        %parallel_loop3A_155 = vector.shape_cast %parallel_loop3A_154 : vector<1x16xf32> to vector<16xf32>
        %parallel_loop3A_156 = arith.mulf %parallel_loop3A_144, %parallel_loop3A_155 : vector<16xf32>
        %parallel_loop3A_157 = arith.mulf %parallel_loop3A_147, %parallel_loop3A_151 : vector<16xf32>
        %parallel_loop3A_158 = arith.addf %parallel_loop3A_156, %parallel_loop3A_157 : vector<16xf32>
        %parallel_loop3A_159 = arith.index_cast %parallel_loop3A_96 : i32 to index
        %parallel_loop3A_160 = arith.constant 0 : index
        %parallel_loop3A_161 = tpu.vector_load %arg17[%parallel_loop3A_159, %parallel_loop3A_160] {strides = array<i32>} : memref<128x128xf32, #tpu.memory_space<vmem>>, vector<1x16xf32>,
        %parallel_loop3A_162 = vector.shape_cast %parallel_loop3A_161 : vector<1x16xf32> to vector<16xf32>
        %parallel_loop3A_163 = vector.shape_cast %parallel_loop3A_158 : vector<16xf32> to vector<1x16xf32>
        tpu.vector_store %arg17[%parallel_loop3A_159, %parallel_loop3A_160], %parallel_loop3A_163 {strides = array<i32>} : memref<128x128xf32, #tpu.memory_space<vmem>>, vector<1x16xf32>,
        %parallel_loop3A_164 = arith.index_cast %parallel_loop3A_96 : i32 to index
        %parallel_loop3A_165 = arith.constant 16 : index
        %parallel_loop3A_166 = tpu.vector_load %arg13[%parallel_loop3A_164, %parallel_loop3A_165] {strides = array<i32>} : memref<128x128xf32, #tpu.memory_space<vmem>>, vector<1x16xf32>,
        %parallel_loop3A_167 = vector.shape_cast %parallel_loop3A_166 : vector<1x16xf32> to vector<16xf32>
        %parallel_loop3A_168 = arith.index_cast %parallel_loop3A_96 : i32 to index
        %parallel_loop3A_169 = arith.constant 16 : index
        %parallel_loop3A_170 = tpu.vector_load %arg15[%parallel_loop3A_168, %parallel_loop3A_169] {strides = array<i32>} : memref<128x128xf32, #tpu.memory_space<vmem>>, vector<1x16xf32>,
        %parallel_loop3A_171 = vector.shape_cast %parallel_loop3A_170 : vector<1x16xf32> to vector<16xf32>
        %parallel_loop3A_172 = arith.mulf %parallel_loop3A_144, %parallel_loop3A_171 : vector<16xf32>
        %parallel_loop3A_173 = arith.mulf %parallel_loop3A_147, %parallel_loop3A_167 : vector<16xf32>
        %parallel_loop3A_174 = arith.addf %parallel_loop3A_172, %parallel_loop3A_173 : vector<16xf32>
        %parallel_loop3A_175 = arith.index_cast %parallel_loop3A_96 : i32 to index
        %parallel_loop3A_176 = arith.constant 16 : index
        %parallel_loop3A_177 = tpu.vector_load %arg17[%parallel_loop3A_175, %parallel_loop3A_176] {strides = array<i32>} : memref<128x128xf32, #tpu.memory_space<vmem>>, vector<1x16xf32>,
        %parallel_loop3A_178 = vector.shape_cast %parallel_loop3A_177 : vector<1x16xf32> to vector<16xf32>
        %parallel_loop3A_179 = vector.shape_cast %parallel_loop3A_174 : vector<16xf32> to vector<1x16xf32>
        tpu.vector_store %arg17[%parallel_loop3A_175, %parallel_loop3A_176], %parallel_loop3A_179 {strides = array<i32>} : memref<128x128xf32, #tpu.memory_space<vmem>>, vector<1x16xf32>,
        %parallel_loop3A_180 = arith.index_cast %parallel_loop3A_96 : i32 to index
        %parallel_loop3A_181 = arith.constant 32 : index
        %parallel_loop3A_182 = tpu.vector_load %arg13[%parallel_loop3A_180, %parallel_loop3A_181] {strides = array<i32>} : memref<128x128xf32, #tpu.memory_space<vmem>>, vector<1x16xf32>,
        %parallel_loop3A_183 = vector.shape_cast %parallel_loop3A_182 : vector<1x16xf32> to vector<16xf32>
        %parallel_loop3A_184 = arith.index_cast %parallel_loop3A_96 : i32 to index
        %parallel_loop3A_185 = arith.constant 32 : index
        %parallel_loop3A_186 = tpu.vector_load %arg15[%parallel_loop3A_184, %parallel_loop3A_185] {strides = array<i32>} : memref<128x128xf32, #tpu.memory_space<vmem>>, vector<1x16xf32>,
        %parallel_loop3A_187 = vector.shape_cast %parallel_loop3A_186 : vector<1x16xf32> to vector<16xf32>
        %parallel_loop3A_188 = arith.mulf %parallel_loop3A_144, %parallel_loop3A_187 : vector<16xf32>
        %parallel_loop3A_189 = arith.mulf %parallel_loop3A_147, %parallel_loop3A_183 : vector<16xf32>
        %parallel_loop3A_190 = arith.addf %parallel_loop3A_188, %parallel_loop3A_189 : vector<16xf32>
        %parallel_loop3A_191 = arith.index_cast %parallel_loop3A_96 : i32 to index
        %parallel_loop3A_192 = arith.constant 32 : index
        %parallel_loop3A_193 = tpu.vector_load %arg17[%parallel_loop3A_191, %parallel_loop3A_192] {strides = array<i32>} : memref<128x128xf32, #tpu.memory_space<vmem>>, vector<1x16xf32>,
        %parallel_loop3A_194 = vector.shape_cast %parallel_loop3A_193 : vector<1x16xf32> to vector<16xf32>
        %parallel_loop3A_195 = vector.shape_cast %parallel_loop3A_190 : vector<16xf32> to vector<1x16xf32>
        tpu.vector_store %arg17[%parallel_loop3A_191, %parallel_loop3A_192], %parallel_loop3A_195 {strides = array<i32>} : memref<128x128xf32, #tpu.memory_space<vmem>>, vector<1x16xf32>,
        %parallel_loop3A_196 = arith.index_cast %parallel_loop3A_96 : i32 to index
        %parallel_loop3A_197 = arith.constant 48 : index
        %parallel_loop3A_198 = tpu.vector_load %arg13[%parallel_loop3A_196, %parallel_loop3A_197] {strides = array<i32>} : memref<128x128xf32, #tpu.memory_space<vmem>>, vector<1x16xf32>,
        %parallel_loop3A_199 = vector.shape_cast %parallel_loop3A_198 : vector<1x16xf32> to vector<16xf32>
        %parallel_loop3A_200 = arith.index_cast %parallel_loop3A_96 : i32 to index
        %parallel_loop3A_201 = arith.constant 48 : index
        %parallel_loop3A_202 = tpu.vector_load %arg15[%parallel_loop3A_200, %parallel_loop3A_201] {strides = array<i32>} : memref<128x128xf32, #tpu.memory_space<vmem>>, vector<1x16xf32>,
        %parallel_loop3A_203 = vector.shape_cast %parallel_loop3A_202 : vector<1x16xf32> to vector<16xf32>
        %parallel_loop3A_204 = arith.mulf %parallel_loop3A_144, %parallel_loop3A_203 : vector<16xf32>
        %parallel_loop3A_205 = arith.mulf %parallel_loop3A_147, %parallel_loop3A_199 : vector<16xf32>
        %parallel_loop3A_206 = arith.addf %parallel_loop3A_204, %parallel_loop3A_205 : vector<16xf32>
        %parallel_loop3A_207 = arith.index_cast %parallel_loop3A_96 : i32 to index
        %parallel_loop3A_208 = arith.constant 48 : index
        %parallel_loop3A_209 = tpu.vector_load %arg17[%parallel_loop3A_207, %parallel_loop3A_208] {strides = array<i32>} : memref<128x128xf32, #tpu.memory_space<vmem>>, vector<1x16xf32>,
        %parallel_loop3A_210 = vector.shape_cast %parallel_loop3A_209 : vector<1x16xf32> to vector<16xf32>
        %parallel_loop3A_211 = vector.shape_cast %parallel_loop3A_206 : vector<16xf32> to vector<1x16xf32>
        tpu.vector_store %arg17[%parallel_loop3A_207, %parallel_loop3A_208], %parallel_loop3A_211 {strides = array<i32>} : memref<128x128xf32, #tpu.memory_space<vmem>>, vector<1x16xf32>,
        %parallel_loop3A_212 = arith.index_cast %parallel_loop3A_96 : i32 to index
        %parallel_loop3A_213 = arith.constant 64 : index
        %parallel_loop3A_214 = tpu.vector_load %arg13[%parallel_loop3A_212, %parallel_loop3A_213] {strides = array<i32>} : memref<128x128xf32, #tpu.memory_space<vmem>>, vector<1x16xf32>,
        %parallel_loop3A_215 = vector.shape_cast %parallel_loop3A_214 : vector<1x16xf32> to vector<16xf32>
        %parallel_loop3A_216 = arith.index_cast %parallel_loop3A_96 : i32 to index
        %parallel_loop3A_217 = arith.constant 64 : index
        %parallel_loop3A_218 = tpu.vector_load %arg15[%parallel_loop3A_216, %parallel_loop3A_217] {strides = array<i32>} : memref<128x128xf32, #tpu.memory_space<vmem>>, vector<1x16xf32>,
        %parallel_loop3A_219 = vector.shape_cast %parallel_loop3A_218 : vector<1x16xf32> to vector<16xf32>
        %parallel_loop3A_220 = arith.mulf %parallel_loop3A_144, %parallel_loop3A_219 : vector<16xf32>
        %parallel_loop3A_221 = arith.mulf %parallel_loop3A_147, %parallel_loop3A_215 : vector<16xf32>
        %parallel_loop3A_222 = arith.addf %parallel_loop3A_220, %parallel_loop3A_221 : vector<16xf32>
        %parallel_loop3A_223 = arith.index_cast %parallel_loop3A_96 : i32 to index
        %parallel_loop3A_224 = arith.constant 64 : index
        %parallel_loop3A_225 = tpu.vector_load %arg17[%parallel_loop3A_223, %parallel_loop3A_224] {strides = array<i32>} : memref<128x128xf32, #tpu.memory_space<vmem>>, vector<1x16xf32>,
        %parallel_loop3A_226 = vector.shape_cast %parallel_loop3A_225 : vector<1x16xf32> to vector<16xf32>
        %parallel_loop3A_227 = vector.shape_cast %parallel_loop3A_222 : vector<16xf32> to vector<1x16xf32>
        tpu.vector_store %arg17[%parallel_loop3A_223, %parallel_loop3A_224], %parallel_loop3A_227 {strides = array<i32>} : memref<128x128xf32, #tpu.memory_space<vmem>>, vector<1x16xf32>,
        %parallel_loop3A_228 = arith.index_cast %parallel_loop3A_96 : i32 to index
        %parallel_loop3A_229 = arith.constant 80 : index
        %parallel_loop3A_230 = tpu.vector_load %arg13[%parallel_loop3A_228, %parallel_loop3A_229] {strides = array<i32>} : memref<128x128xf32, #tpu.memory_space<vmem>>, vector<1x16xf32>,
        %parallel_loop3A_231 = vector.shape_cast %parallel_loop3A_230 : vector<1x16xf32> to vector<16xf32>
        %parallel_loop3A_232 = arith.index_cast %parallel_loop3A_96 : i32 to index
        %parallel_loop3A_233 = arith.constant 80 : index
        %parallel_loop3A_234 = tpu.vector_load %arg15[%parallel_loop3A_232, %parallel_loop3A_233] {strides = array<i32>} : memref<128x128xf32, #tpu.memory_space<vmem>>, vector<1x16xf32>,
        %parallel_loop3A_235 = vector.shape_cast %parallel_loop3A_234 : vector<1x16xf32> to vector<16xf32>
        %parallel_loop3A_236 = arith.mulf %parallel_loop3A_144, %parallel_loop3A_235 : vector<16xf32>
        %parallel_loop3A_237 = arith.mulf %parallel_loop3A_147, %parallel_loop3A_231 : vector<16xf32>
        %parallel_loop3A_238 = arith.addf %parallel_loop3A_236, %parallel_loop3A_237 : vector<16xf32>
        %parallel_loop3A_239 = arith.index_cast %parallel_loop3A_96 : i32 to index
        %parallel_loop3A_240 = arith.constant 80 : index
        %parallel_loop3A_241 = tpu.vector_load %arg17[%parallel_loop3A_239, %parallel_loop3A_240] {strides = array<i32>} : memref<128x128xf32, #tpu.memory_space<vmem>>, vector<1x16xf32>,
        %parallel_loop3A_242 = vector.shape_cast %parallel_loop3A_241 : vector<1x16xf32> to vector<16xf32>
        %parallel_loop3A_243 = vector.shape_cast %parallel_loop3A_238 : vector<16xf32> to vector<1x16xf32>
        tpu.vector_store %arg17[%parallel_loop3A_239, %parallel_loop3A_240], %parallel_loop3A_243 {strides = array<i32>} : memref<128x128xf32, #tpu.memory_space<vmem>>, vector<1x16xf32>,
        %parallel_loop3A_244 = arith.index_cast %parallel_loop3A_96 : i32 to index
        %parallel_loop3A_245 = arith.constant 96 : index
        %parallel_loop3A_246 = tpu.vector_load %arg13[%parallel_loop3A_244, %parallel_loop3A_245] {strides = array<i32>} : memref<128x128xf32, #tpu.memory_space<vmem>>, vector<1x16xf32>,
        %parallel_loop3A_247 = vector.shape_cast %parallel_loop3A_246 : vector<1x16xf32> to vector<16xf32>
        %parallel_loop3A_248 = arith.index_cast %parallel_loop3A_96 : i32 to index
        %parallel_loop3A_249 = arith.constant 96 : index
        %parallel_loop3A_250 = tpu.vector_load %arg15[%parallel_loop3A_248, %parallel_loop3A_249] {strides = array<i32>} : memref<128x128xf32, #tpu.memory_space<vmem>>, vector<1x16xf32>,
        %parallel_loop3A_251 = vector.shape_cast %parallel_loop3A_250 : vector<1x16xf32> to vector<16xf32>
        %parallel_loop3A_252 = arith.mulf %parallel_loop3A_144, %parallel_loop3A_251 : vector<16xf32>
        %parallel_loop3A_253 = arith.mulf %parallel_loop3A_147, %parallel_loop3A_247 : vector<16xf32>
        %parallel_loop3A_254 = arith.addf %parallel_loop3A_252, %parallel_loop3A_253 : vector<16xf32>
        %parallel_loop3A_255 = arith.index_cast %parallel_loop3A_96 : i32 to index
        %parallel_loop3A_256 = arith.constant 96 : index
        %parallel_loop3A_257 = tpu.vector_load %arg17[%parallel_loop3A_255, %parallel_loop3A_256] {strides = array<i32>} : memref<128x128xf32, #tpu.memory_space<vmem>>, vector<1x16xf32>,
        %parallel_loop3A_258 = vector.shape_cast %parallel_loop3A_257 : vector<1x16xf32> to vector<16xf32>
        %parallel_loop3A_259 = vector.shape_cast %parallel_loop3A_254 : vector<16xf32> to vector<1x16xf32>
        tpu.vector_store %arg17[%parallel_loop3A_255, %parallel_loop3A_256], %parallel_loop3A_259 {strides = array<i32>} : memref<128x128xf32, #tpu.memory_space<vmem>>, vector<1x16xf32>,
        %parallel_loop3A_260 = arith.index_cast %parallel_loop3A_96 : i32 to index
        %parallel_loop3A_261 = arith.constant 112 : index
        %parallel_loop3A_262 = tpu.vector_load %arg13[%parallel_loop3A_260, %parallel_loop3A_261] {strides = array<i32>} : memref<128x128xf32, #tpu.memory_space<vmem>>, vector<1x16xf32>,
        %parallel_loop3A_263 = vector.shape_cast %parallel_loop3A_262 : vector<1x16xf32> to vector<16xf32>
        %parallel_loop3A_264 = arith.index_cast %parallel_loop3A_96 : i32 to index
        %parallel_loop3A_265 = arith.constant 112 : index
        %parallel_loop3A_266 = tpu.vector_load %arg15[%parallel_loop3A_264, %parallel_loop3A_265] {strides = array<i32>} : memref<128x128xf32, #tpu.memory_space<vmem>>, vector<1x16xf32>,
        %parallel_loop3A_267 = vector.shape_cast %parallel_loop3A_266 : vector<1x16xf32> to vector<16xf32>
        %parallel_loop3A_268 = arith.mulf %parallel_loop3A_144, %parallel_loop3A_267 : vector<16xf32>
        %parallel_loop3A_269 = arith.mulf %parallel_loop3A_147, %parallel_loop3A_263 : vector<16xf32>
        %parallel_loop3A_270 = arith.addf %parallel_loop3A_268, %parallel_loop3A_269 : vector<16xf32>
        %parallel_loop3A_271 = arith.index_cast %parallel_loop3A_96 : i32 to index
        %parallel_loop3A_272 = arith.constant 112 : index
        %parallel_loop3A_273 = tpu.vector_load %arg17[%parallel_loop3A_271, %parallel_loop3A_272] {strides = array<i32>} : memref<128x128xf32, #tpu.memory_space<vmem>>, vector<1x16xf32>,
        %parallel_loop3A_274 = vector.shape_cast %parallel_loop3A_273 : vector<1x16xf32> to vector<16xf32>
        %parallel_loop3A_275 = vector.shape_cast %parallel_loop3A_270 : vector<16xf32> to vector<1x16xf32>
        tpu.vector_store %arg17[%parallel_loop3A_271, %parallel_loop3A_272], %parallel_loop3A_275 {strides = array<i32>} : memref<128x128xf32, #tpu.memory_space<vmem>>, vector<1x16xf32>,
      } {sc.loop_unroll_factor = 1 : i64, sc.parallel_access}
      %mul3A_82 = arith.constant 128 : i32
      %mul3A_83 = arith.muli %add3A_67, %mul3A_82 : i32
      %add3A_84 = arith.addi %mul3A_2, %mul3A_83 : i32
      %dma_start3A_85 = arith.constant 0 : i32
      %dma_start3A_86 = tpu.memref_slice %arg4[%add3A_84, %dma_start3A_85] : memref<819200x128xf32, #tpu.memory_space<hbm>> -> memref<128x128xf32, #tpu.memory_space<hbm>>
      %dma_start3A_87 = arith.constant 0 : i32
      %dma_start3A_88 = tpu.memref_slice %arg4[%add3A_84, %dma_start3A_87] : memref<819200x128xf32, #tpu.memory_space<hbm>> -> memref<128x128xf32, #tpu.memory_space<hbm>>
      tpu.enqueue_dma source(%arg17 : memref<128x128xf32, #tpu.memory_space<vmem>>) target(%dma_start3A_88 : memref<128x128xf32, #tpu.memory_space<hbm>>) target_semaphore(%arg21 : memref<!tpu.dma_semaphore, #tpu.memory_space<semaphore_mem>>)
      %add3A_89 = arith.constant 2 : i32
      %add3A_90 = arith.addi %add3A_67, %add3A_89 : i32
      %lt3A_91 = arith.constant 200 : i32
      %lt3A_92 = arith.cmpi slt, %add3A_90, %lt3A_91 : i32
      %convert_element_type3A_93 = arith.extui %lt3A_92 : i1 to i32
      %cond3A_94 = arith.constant 0 : i32
      %cond3A_95 = arith.cmpi ne, %convert_element_type3A_93, %cond3A_94 : i32
      scf.if %cond3A_95 {
        %mul3A_96 = arith.constant 128 : i32
        %mul3A_97 = arith.muli %add3A_90, %mul3A_96 : i32
        %parallel_loop3A_98 = arith.constant 0 : i32
        %parallel_loop3A_99 = arith.constant 8 : i32
        %parallel_loop3A_100 = arith.constant 1 : i32
        scf.for %parallel_loop3A_107 = %parallel_loop3A_98 to %parallel_loop3A_99 step %parallel_loop3A_100  : i32 {
          %parallel_loop3A_108 = arith.constant 16 : i32
          %parallel_loop3A_109 = arith.muli %parallel_loop3A_107, %parallel_loop3A_108 : i32
          %parallel_loop3A_110 = arith.addi %mul3A_97, %parallel_loop3A_109 : i32
          %parallel_loop3A_111 = arith.index_cast %parallel_loop3A_110 : i32 to index
          %parallel_loop3A_112 = tpu.vector_load %arg5[%parallel_loop3A_111] {strides = array<i32>} : memref<25600xf32, #tpu.memory_space<vmem>>, vector<16xf32>,
          %parallel_loop3A_113 = vector.shape_cast %parallel_loop3A_112 : vector<16xf32> to vector<16xf32>
          %parallel_loop3A_114 = arith.constant 1.000000e+05 : f32
          %parallel_loop3A_115 = vector.broadcast %parallel_loop3A_114 : f32 to vector<16xf32>
          %parallel_loop3A_116 = arith.mulf %parallel_loop3A_113, %parallel_loop3A_115 : vector<16xf32>
          %parallel_loop3A_117 = arith.constant 0.000000e+00 : f32
          %parallel_loop3A_118 = arith.constant 9.999900e+04 : f32
          %parallel_loop3A_119 = vector.broadcast %parallel_loop3A_117 : f32 to vector<16xf32>
          %parallel_loop3A_120 = arith.maximumf %parallel_loop3A_119, %parallel_loop3A_116 : vector<16xf32>
          %parallel_loop3A_121 = vector.broadcast %parallel_loop3A_118 : f32 to vector<16xf32>
          %parallel_loop3A_122 = arith.minimumf %parallel_loop3A_121, %parallel_loop3A_120 : vector<16xf32>
          %parallel_loop3A_123 = arith.fptosi %parallel_loop3A_122 : vector<16xf32> to vector<16xi32>
          %parallel_loop3A_124 = arith.constant 16 : i32
          %parallel_loop3A_125 = arith.muli %parallel_loop3A_107, %parallel_loop3A_124 : i32
          %parallel_loop3A_126 = arith.index_cast %parallel_loop3A_125 : i32 to index
          %parallel_loop3A_127 = tpu.vector_load %arg7[%parallel_loop3A_126] {strides = array<i32>} : memref<128xi32, #tpu.memory_space<vmem>>, vector<16xi32>,
          %parallel_loop3A_128 = vector.shape_cast %parallel_loop3A_127 : vector<16xi32> to vector<16xi32>
          %parallel_loop3A_129 = vector.shape_cast %parallel_loop3A_123 : vector<16xi32> to vector<16xi32>
          tpu.vector_store %arg7[%parallel_loop3A_126], %parallel_loop3A_129 {strides = array<i32>} : memref<128xi32, #tpu.memory_space<vmem>>, vector<16xi32>,
          %parallel_loop3A_130 = arith.constant 1 : i32
          %parallel_loop3A_131 = vector.broadcast %parallel_loop3A_130 : i32 to vector<16xi32>
          %parallel_loop3A_132 = arith.addi %parallel_loop3A_123, %parallel_loop3A_131 : vector<16xi32>
          %parallel_loop3A_133 = arith.constant 99999 : i32
          %parallel_loop3A_134 = vector.broadcast %parallel_loop3A_133 : i32 to vector<16xi32>
          %parallel_loop3A_135 = arith.minsi %parallel_loop3A_132, %parallel_loop3A_134 : vector<16xi32>
          %parallel_loop3A_136 = arith.constant 16 : i32
          %parallel_loop3A_137 = arith.muli %parallel_loop3A_107, %parallel_loop3A_136 : i32
          %parallel_loop3A_138 = arith.index_cast %parallel_loop3A_137 : i32 to index
          %parallel_loop3A_139 = tpu.vector_load %arg9[%parallel_loop3A_138] {strides = array<i32>} : memref<128xi32, #tpu.memory_space<vmem>>, vector<16xi32>,
          %parallel_loop3A_140 = vector.shape_cast %parallel_loop3A_139 : vector<16xi32> to vector<16xi32>
          %parallel_loop3A_141 = vector.shape_cast %parallel_loop3A_135 : vector<16xi32> to vector<16xi32>
          tpu.vector_store %arg9[%parallel_loop3A_138], %parallel_loop3A_141 {strides = array<i32>} : memref<128xi32, #tpu.memory_space<vmem>>, vector<16xi32>,
          %parallel_loop3A_142 = arith.sitofp %parallel_loop3A_123 : vector<16xi32> to vector<16xf32>
          %parallel_loop3A_143 = arith.subf %parallel_loop3A_122, %parallel_loop3A_142 : vector<16xf32>
          %parallel_loop3A_144 = arith.constant 16 : i32
          %parallel_loop3A_145 = arith.muli %parallel_loop3A_107, %parallel_loop3A_144 : i32
          %parallel_loop3A_146 = arith.index_cast %parallel_loop3A_145 : i32 to index
          %parallel_loop3A_147 = tpu.vector_load %arg11[%parallel_loop3A_146] {strides = array<i32>} : memref<128xf32, #tpu.memory_space<vmem>>, vector<16xf32>,
          %parallel_loop3A_148 = vector.shape_cast %parallel_loop3A_147 : vector<16xf32> to vector<16xf32>
          %parallel_loop3A_149 = vector.shape_cast %parallel_loop3A_143 : vector<16xf32> to vector<16xf32>
          tpu.vector_store %arg11[%parallel_loop3A_146], %parallel_loop3A_149 {strides = array<i32>} : memref<128xf32, #tpu.memory_space<vmem>>, vector<16xf32>,
        } {sc.loop_unroll_factor = 1 : i64, sc.parallel_access}
        %dma_start3A_101 = arith.constant 0 : i32
        %dma_start3A_102 = arith.constant 0 : i32
        %dma_start3A_103 = tpu.memref_slice %arg3[%dma_start3A_101, %dma_start3A_102] : memref<100000x128xf32, #tpu.memory_space<hbm>> -> memref<100000x128xf32, #tpu.memory_space<hbm>>
        tpu.enqueue_indirect_dma source(%dma_start3A_103 : memref<100000x128xf32, #tpu.memory_space<hbm>>) target(%arg13 : memref<128x128xf32, #tpu.memory_space<vmem>>) offsets(%arg7 : memref<128xi32, #tpu.memory_space<vmem>>) semaphore(%arg19 : memref<!tpu.dma_semaphore, #tpu.memory_space<semaphore_mem>>)
        %dma_start3A_104 = arith.constant 0 : i32
        %dma_start3A_105 = arith.constant 0 : i32
        %dma_start3A_106 = tpu.memref_slice %arg3[%dma_start3A_104, %dma_start3A_105] : memref<100000x128xf32, #tpu.memory_space<hbm>> -> memref<100000x128xf32, #tpu.memory_space<hbm>>
        tpu.enqueue_indirect_dma source(%dma_start3A_106 : memref<100000x128xf32, #tpu.memory_space<hbm>>) target(%arg15 : memref<128x128xf32, #tpu.memory_space<vmem>>) offsets(%arg9 : memref<128xi32, #tpu.memory_space<vmem>>) semaphore(%arg19 : memref<!tpu.dma_semaphore, #tpu.memory_space<semaphore_mem>>)
      } else {
      }
    }
    %scan3A_23 = arith.constant 100 : i32
    %add3A_24 = arith.constant 25344 : i32
    %add3A_25 = arith.addi %mul3A_2, %add3A_24 : i32
    %dma_wait3A = arith.constant 0 : i32
    %dma_wait3A_26 = tpu.memref_slice %arg4[%add3A_25, %dma_wait3A] : memref<819200x128xf32, #tpu.memory_space<hbm>> -> memref<128x128xf32, #tpu.memory_space<hbm>>
    %dma_wait3A_27 = arith.constant 0 : i32
    %dma_wait3A_28 = tpu.memref_slice %arg4[%add3A_25, %dma_wait3A_27] : memref<819200x128xf32, #tpu.memory_space<hbm>> -> memref<128x128xf32, #tpu.memory_space<hbm>>
    tpu.wait_dma2 semaphore(%arg20 : memref<!tpu.dma_semaphore, #tpu.memory_space<semaphore_mem>>) src(%arg16 : memref<128x128xf32, #tpu.memory_space<vmem>>) dst(%dma_wait3A_28 : memref<128x128xf32, #tpu.memory_space<hbm>>)
    %add3A_29 = arith.constant 25472 : i32
    %add3A_30 = arith.addi %mul3A_2, %add3A_29 : i32
    %dma_wait3A_31 = arith.constant 0 : i32
    %dma_wait3A_32 = tpu.memref_slice %arg4[%add3A_30, %dma_wait3A_31] : memref<819200x128xf32, #tpu.memory_space<hbm>> -> memref<128x128xf32, #tpu.memory_space<hbm>>
    %dma_wait3A_33 = arith.constant 0 : i32
    %dma_wait3A_34 = tpu.memref_slice %arg4[%add3A_30, %dma_wait3A_33] : memref<819200x128xf32, #tpu.memory_space<hbm>> -> memref<128x128xf32, #tpu.memory_space<hbm>>
    tpu.wait_dma2 semaphore(%arg21 : memref<!tpu.dma_semaphore, #tpu.memory_space<semaphore_mem>>) src(%arg17 : memref<128x128xf32, #tpu.memory_space<vmem>>) dst(%dma_wait3A_34 : memref<128x128xf32, #tpu.memory_space<hbm>>)
    return
  }
}

</mosaic_0001>

<sc_bundles>
// kernel: kernel.3.cloned.1.call-start
scs
__scs_entry_jumppad:
0x0: {  	(pc) =	sbr.rel $0x88, $3  }
0x1: {  	(tag) =	ssettag $0x0;
	lr =	simm.s32 $0x1  }
0x2: {  	[smem:$0x3F9F] =	sst lr;
	_ =	strace $0xD0000000  }
0x3: {  	_ = 	snop  }
0x4: {  	_ = 	snop  }
0x5: {  	_ = 	snop  }
0x6: {  	_ = 	snop  }
0x7: {  	_ = 	snop  }
__scs_overlays_trampoline_lowered:
0x8: {  	[smem:$0x3FAE] =	sst s0  }
0x9: {  	[smem:$0x3FAF] =	sst s1  }
0xa: {  	[smem:$0x3FB0] =	sst s2  }
0xb: {  	[smem:$0x3FB1] =	sst s3  }
0xc: {  	[smem:$0x3FB2] =	sst s4  }
0xd: {  	[smem:$0x3FB3] =	sst s5  }
0xe: {  	[smem:$0x3FB4] =	sst s6  }
0xf: {  	[smem:$0x3FB5] =	sst s7  }
0x10: {  	[smem:$0x3FB6] =	sst s8  }
0x11: {  	[smem:$0x3FB7] =	sst s9;
	s0 =	simm.s32 @!p0 $0x0  }
0x12: {  	s1 =	sld [smem:$0x3F9D];
	s0 =	simm.s32 @p0 $0x1  }
0x13: {  	[smem:$0x3FB8] =	sst s0;
	s0 =	simm.s32 @!p1 $0x0  }
0x14: {  	s2 =	sld [smem:$0x3F9C];
	s0 =	simm.s32 @p1 $0x1  }
0x15: {  	[smem:$0x3FB9] =	sst s0;
	s0 =	simm.s32 @!p2 $0x0  }
0x16: {  	s3 =	sld [smem:$0x3FDB];
	s0 =	simm.s32 @p2 $0x1  }
0x17: {  	s4 =	simm.s32 $0x1BF5;
	[smem:$0x3FBB] =	sst s0  }
0x18: {  	s0 =	sld [smem:$0x3F9E];
	_ =	swait.ge [sflag:s4], $0x0  }
0x19: {  	s7 =	sld [smem:$0x3F9F]  }
0x1a: {  	s8 =	sadd.s32 $0xFFFFE003, lr  }
0x1b: {  	s9 =	sadd.s32 $0xFFFFFEF7, lr;
	s5 =	simm.s32 $0xFFFFFFFF;
	p2 =	slt.u32 s8, $0xFFFFF086  }
0x1c: {  	p1 =	slt.u32 s9, $0xF7A;
	s5 =	simm.s32 @!p2 $0x0  }
0x1d: {  	s5 =	simm.s32 @p1 $0x1;
	p0 =	seq.s32 s7, s2  }
0x1e: {  	s7 =	smul.u32 @!p0 $0xF7A, s2;
	p2 =	seq.s32 @!p0 s5, $0x0  }
0x1f: {  	s9 =	smul.u32 $0xF7A, s1;
	s8 =	simm.s32 @!p0 $0x1BF5;
	p2 =	por !p2, p0  }
0x20: {  	[sflag:s8] =	ssyncset.s32 @!p0 $0xFFFFF086;
	s6 =	sadd.s32 @!p0 s3, s7;
	s7 =	simm.s32 @!p0 $0x108  }
0x21: {  	s3 =	sadd.s32 s3, s9;
	s6 =	sadd.s32 @!p0 $0x88, s6;
	s7 =	simm.s32 @p2 $0x1082  }
0x22: {  	[simem:s7], [sflag:s8] =	dma.local @!p0 [hbm:s6], $0xF7A  }
0x23: {  	s9 =	sor.u32 $0xD0000000, s2;
	s6 =	simm.s32 $0x108;
	_ =	swait.ge @!p0 [sflag:s8], $0x0  }
0x24: {  	s3 =	sadd.s32 $0x88, s3;
	s6 =	simm.s32 @!p1 $0x1082;
	[sflag:s4] =	ssyncset.s32 $0xFFFFF086  }
0x25: {  	[simem:s6], [sflag:s4] =	dma.local [hbm:s3], $0xF7A  }
0x26: {  	[smem:$0x3F9F] =	sst s1;
	(tag) =	ssettag s2;
	_ =	strace s9  }
0x27: {  	s1 =	sld [smem:$0x3FAF]  }
0x28: {  	s2 =	sld [smem:$0x3FB0]  }
0x29: {  	s4 =	sld [smem:$0x3FB2]  }
0x2a: {  	p0 =	seq.s32 s5, $0x0;
	s5 =	sld [smem:$0x3FB3]  }
0x2b: {  	s6 =	sld [smem:$0x3FB4]  }
0x2c: {  	s7 =	sld [smem:$0x3FB5]  }
0x2d: {  	s3 =	simm.s32 $0x108;
	s8 =	sld [smem:$0x3FB6]  }
0x2e: {  	s3 =	simm.s32 @!p0 $0x1082;
	s9 =	sld [smem:$0x3FB7]  }
0x2f: {  	lr =	sadd.s32 s0, s3;
	s0 =	sld [smem:$0x3FAE]  }
0x30: {  	s3 =	sld [smem:$0x3FB1]  }
0x31: {  	[smem:$0x3FBA] =	sst s10  }
0x32: {  	s10 =	sld [smem:$0x3FB8];
	_ =	sdelay $0x3  }
0x33: {  	p0 =	seq.s32 s10, $0x1;
	s10 =	sld [smem:$0x3FBA];
	_ =	sdelay $0x3  }
0x34: {  	[smem:$0x3FBA] =	sst s10  }
0x35: {  	s10 =	sld [smem:$0x3FB9];
	_ =	sdelay $0x3  }
0x36: {  	p1 =	seq.s32 s10, $0x1;
	s10 =	sld [smem:$0x3FBA];
	_ =	sdelay $0x3  }
0x37: {  	[smem:$0x3FBA] =	sst s10  }
0x38: {  	s10 =	sld [smem:$0x3FBB]  }
0x39: {  	_ = 	snop;
	(pc) =	sbr.ind lr, $3  }
0x3a: {  	_ = 	snop  }
0x3b: {  	_ = 	snop  }
0x3c: {  	p2 =	seq.s32 s10, $0x1;
	s10 =	sld [smem:$0x3FBA]  }
0x3d: {  	_ =	shalt  }
0x3e: {  	_ =	shalt  }
0x3f: {  	_ =	shalt  }
0x40: {  	_ =	shalt  }
0x41: {  	_ =	shalt  }
0x42: {  	_ =	shalt  }
0x43: {  	_ =	shalt  }
0x44: {  	_ =	shalt  }
0x45: {  	_ =	shalt  }
0x46: {  	_ =	shalt  }
0x47: {  	_ =	shalt  }
0x48: {  	_ =	shalt  }
0x49: {  	_ =	shalt  }
0x4a: {  	_ =	shalt  }
0x4b: {  	_ =	shalt  }
0x4c: {  	_ =	shalt  }
0x4d: {  	_ =	shalt  }
0x4e: {  	_ =	shalt  }
0x4f: {  	_ =	shalt  }
0x50: {  	_ =	shalt  }
0x51: {  	_ =	shalt  }
0x52: {  	_ =	shalt  }
0x53: {  	_ =	shalt  }
0x54: {  	_ =	shalt  }
0x55: {  	_ =	shalt  }
0x56: {  	_ =	shalt  }
0x57: {  	_ =	shalt  }
0x58: {  	_ =	shalt  }
0x59: {  	_ =	shalt  }
0x5a: {  	_ =	shalt  }
0x5b: {  	_ =	shalt  }
0x5c: {  	_ =	shalt  }
0x5d: {  	_ =	shalt  }
0x5e: {  	_ =	shalt  }
0x5f: {  	_ =	shalt  }
0x60: {  	_ =	shalt  }
0x61: {  	_ =	shalt  }
0x62: {  	_ =	shalt  }
0x63: {  	_ =	shalt  }
0x64: {  	_ =	shalt  }
0x65: {  	_ =	shalt  }
0x66: {  	_ =	shalt  }
0x67: {  	_ =	shalt  }
0x68: {  	_ =	shalt  }
0x69: {  	_ =	shalt  }
0x6a: {  	_ =	shalt  }
0x6b: {  	_ =	shalt  }
0x6c: {  	_ =	shalt  }
0x6d: {  	_ =	shalt  }
0x6e: {  	_ =	shalt  }
0x6f: {  	_ =	shalt  }
0x70: {  	_ =	shalt  }
0x71: {  	_ =	shalt  }
0x72: {  	_ =	shalt  }
0x73: {  	_ =	shalt  }
0x74: {  	_ =	shalt  }
0x75: {  	_ =	shalt  }
0x76: {  	_ =	shalt  }
0x77: {  	_ =	shalt  }
0x78: {  	_ =	shalt  }
0x79: {  	_ =	shalt  }
0x7a: {  	_ =	shalt  }
0x7b: {  	_ =	shalt  }
0x7c: {  	_ =	shalt  }
0x7d: {  	_ =	shalt  }
0x7e: {  	_ =	shalt  }
0x7f: {  	_ =	shalt  }
0x80: {  	_ =	shalt  }
0x81: {  	_ =	shalt  }
0x82: {  	_ =	shalt  }
0x83: {  	_ =	shalt  }
0x84: {  	_ =	shalt  }
0x85: {  	_ =	shalt  }
0x86: {  	_ =	shalt  }
0x87: {  	_ =	shalt  }
.Lfunc_end0:
.L_simem_size_0:
called_computation_lowered:
.L_overlay_start_0:
0x88: {  	s2 =	sld [smem:$0x3FD9]  }
0x89: {  	s3 =	sld [smem:$0x3FFE];
	_ =	sdelay $0x1  }
0x8a: {  	s1 =	srdreg.scid  }
0x8b: {  	s0 =	sand.u32 $0x1, s1  }
0x8c: {  	s18 =	sshll.u32 s0, $0xA;
	s2 =	sadd.s32 s3, s2  }
0x8d: {  	s2 =	sadd.s32 s2, s18  }
0x8e: {  	[smem:$0x3FC6] =	sst s2  }
0x8f: {  	_ = 	snop  }
0x90: {  	s2 =	sld [smem:$0x3FC9]  }
0x91: {  	s19 =	sld [smem:$0x3FC8]  }
0x92: {  	s4 =	sld [smem:$0x3FD0];
	(tm) =	ssettm $0x1  }
0x93: {  	s5 =	sld [smem:$0x3FFB];
	_ =	sdelay $0x3  }
0x94: {  	_ =	strace s5  }
0x95: {  	s5 =	sld [smem:$0x3FFC];
	_ =	sdelay $0x3  }
0x96: {  	_ =	strace s5  }
0x97: {  	s5 =	sld [smem:$0x3FFD];
	_ =	sdelay $0x3  }
0x98: {  	_ =	strace s5  }
0x99: {  	_ =	strace $0x8FFFFFFF  }
0x9a: {  	s20 =	sld [smem:$0x3FDB];
	_ =	sdelay $0x1  }
0x9b: {  	s6 =	simm.s32 $_scs_section_size  }
0x9c: {  	s7 =	simm.s32 $_size__tile_overlayer_lowered;
	s8 =	simm.s32 $_tile_overlayer_lowered  }
0x9d: {  	s23 =	simm.s32 $0x1BFF;
	s22 =	sshll.u32 s8, $0x1;
	s5 =	sadd.s32 s6, s20  }
0x9e: {  	s9 =	simm.s32 $0x0;
	s21 =	sshll.u32 s7, $0x1;
	s7 =	sadd.s32 s22, s5  }
0x9f: {  	[timem:s9], [sflag:s23] =	dma.local [hbm:s7], s21  }
0xa0: {  	_ =	swait.ge [sflag:s23], s21  }
0xa1: {  	s6 =	ssub.s32 $0x0, s21;
	[sflag:s23] =	ssyncset.done $0x0  }
0xa2: {  	[sflag:s23] =	ssyncadd.s32 s6;
	_ =	sdelay $0x1  }
0xa3: {  	s24 =	simm.s32 $0x1B8B  }
0xa4: {  	_ =	swait.ge [sflag:s24], $0x1  }
0xa5: {  	[sflag:s24] =	ssyncset.done $0x0  }
0xa6: {  	s25 =	simm.s32 $0x1B8E;
	[sflag:s24] =	ssyncadd.s32 $0xFFFFFFFF  }
0xa7: {  	s26 =	simm.s32 $execute0_lowered;
	[smem:$0x3FD2] =	sst s25  }
0xa8: {  	s6 =	sshll.u32 s26, $0x1;
	_ =	strace $0x80000046;
	[dreg:$0x1] =	wrdreg $0xFFFFFFFF  }
0xa9: {  	s28 =	simm.s32 $_size_execute0_lowered;
	s5 =	sadd.s32 s5, s6;
	[dreg:$0x0] =	wrdreg $0x0  }
0xaa: {  	s6 =	sshll.u32 s28, $0x1;
	[dreg:$0x2] =	wrdreg s5  }
0xab: {  	[dreg:$0x3] =	wrdreg s6  }
0xac: {  	[dreg:$0x4] =	wrdreg $0xC0  }
0xad: {  	_ =	task [dreg:s9], $0x5FFFF  }
0xae: {  	[dreg:$0x1] =	wrdreg $0xFFFFFFFF  }
0xaf: {  	[dreg:$0x0] =	wrdreg $0x60  }
0xb0: {  	[dreg:$0x2] =	wrdreg s2  }
0xb1: {  	[dreg:$0x3] =	wrdreg s19  }
0xb2: {  	[dreg:$0x4] =	wrdreg s4  }
0xb3: {  	[dreg:$0x5] =	wrdreg $0x9  }
0xb4: {  	_ =	task.clear_ibuf [dreg:s9], $0x6FFFF;
	_ =	strace $0x90000046  }
0xb5: {  	s29 =	simm.s32 $0x9;
	_ =	strace $0x80000048  }
0xb6: {  	_ =	swait.ge [sflag:s29], $0x1  }
0xb7: {  	[sflag:s29] =	ssyncadd.s32 $0xFFFFFFFF  }
0xb8: {  	_ =	strace $0x90000048  }
0xb9: {  	_ =	sfence  }
0xba: {  	s30 =	sld [smem:$0x0];
	_ =	sdelay $0x2  }
0xbb: {  	s31 =	sshll.u32 s1, $0xD;
	s1 =	sshrl.u32 s1, $0x2  }
0xbc: {  	s3 =	sand.u32 $0x4000, s31;
	s1 =	sadd.s32 s1, s30  }
0xbd: {  	s0 =	sor.u32 s3, s0;
	s1 =	sshll.u32 s1, $0x11  }
0xbe: {  	s0 =	sor.u32 s1, s0  }
0xbf: {  	s0 =	sadd.s32 $0x8F2B, s0  }
0xc0: {  	[sflag:s0] =	ssyncadd.remote.s32 $0x1  }
0xc1: {  	_ =	sfence.sel $0xFFFF  }
0xc2: {  	[dreg:$0x0] =	wrdreg $0xFFFFFFFF;
	(pc) =	sbr.abs _section_cstart, $3  }
0xc3: {  	[dreg:$0x1] =	wrdreg $0xFFFFFFFF  }
0xc4: {  	_ =	task.clear_ibuf [dreg:s9], $0x2FFFF;
	_ =	strace $0x9FFFFFFF  }
0xc5: {  	(tm) =	ssettm $0x7FFFFFFF  }
tec
execute0_lowered:
.L_overlay_start_1:
0x0: {  	(tag) =	ssettag $0x1  }
0x1: {  	s1 =	srdreg.scid;
	s3 =	stileid.u32  }
0x2: {  	s0 =	rddreg [dreg:$0x0];
	s1 =	sand.u32 $0x1, s1;
	s3 =	sshll.u32 s3, $0x1  }
0x3: {  	s2 =	rddreg [dreg:$0x1];
	s3 =	sor.u32 s1, s3  }
0x4: {  	s7 =	rddreg [dreg:$0x2];
	s4 =	smul.u32 $0xC80, s3  }
0x5: {  	s5 =	simm.s32 $0x0;
	s10 =	simm.s32 $0x80;
	s6 =	smul.u32 $0x64000, s3  }
0x6: {  	[smem:$0x7FF] =	sst s5;
	s1 =	ssub.s32 $0x2, s1;
	s29 =	smul.u32 $0x320000, s3  }
.Ltmp0:
0x7: {  	_ =	strace $0x80000047;
	s28 =	sshrl.u32 s1, $0x1;
	(pc) =	sbr.rel .LBB2_1-.Ltmp0, $4  }
0x8: {  	s1 =	ssub.s32 s1, s28;
	s0 =	sadd.s32 s0, s4;
	[dreg:$0x5] =	wrdreg s29  }
0x9: {  	s30 =	smax.u32 s1, $0x1;
	s31 =	sadd.s32 s6, s7;
	[dreg:$0x4] =	wrdreg s0  }
0xa: {  	s19 =	simm.s32 $0x1;
	[dreg:$0x6] =	wrdreg s30;
	s0 =	sadd.s32 $0x800, s31  }
0xb: {  	s21 =	simm.s32 $0x2;
	s3 =	simm.s32 $0x0;
	[dreg:$0x7] =	wrdreg s0  }
.LBB2_18:
0xc: {  	s0 =	simm.s32 $0x3  }
0xd: {  	_ =	swait.ge [sflag:s0], $0x4000  }
0xe: {  	[sflag:s0] =	ssyncset.done $0x0  }
0xf: {  	s1 =	simm.s32 $0x4;
	[sflag:s0] =	ssyncadd.s32 $0xFFFFC000  }
0x10: {  	_ =	swait.ge [sflag:s1], $0x4000  }
0x11: {  	s3 =	rddreg [dreg:$0x8]  }
0x12: {  	s31 =	rddreg [dreg:$0x6];
	s3 =	sadd.s32 $0x1, s3  }
0x13: {  	p0 =	sne.s32 s3, s31  }
.Ltmp1:
0x14: {  	_ = 	snop;
	(pc) =	sbr.rel @!p0 .LBB2_19-.Ltmp1, $3  }
0x15: {  	_ =	sdelay $0x1  }
0x16: {  	[sflag:s1] =	ssyncset.done $0x0  }
0x17: {  	[sflag:s1] =	ssyncadd.s32 $0xFFFFC000  }
.LBB2_1:
0x18: {  	[dreg:$0x8] =	wrdreg s3  }
0x19: {  	s0 =	simm.s32 $0x0;
	s1 =	rddreg [dreg:$0x4];
	s31 =	simm.s32 $0x5  }
0x1a: {  	[tilespmem:s0], [sflag:$0x5] =	stream.linear.gather [hbm4b:s1+s0], $0x6400, $0x38;
	[tilespmem:$0x1E700] =	vst v63  }
0x1b: {  	_ =	swait.ge [sflag:s31], $0x6400  }
0x1c: {  	[sflag:s31] =	ssyncset.done $0x0  }
0x1d: {  	s1 =	simm.s32 $0x0;
	[sflag:s31] =	ssyncadd.s32 $0xFFFF9C00  }
0x1e: {  	v0 =	vld [tilespmem:s1+$0x0];
	_ =	sdelay $0x4  }
0x1f: {  	s0 =	simm.s32 $0x10;
	v0 =	vmul.f32 $1.000000000e+05, v0  }
0x20: {  	v1 =	vld [tilespmem:s0+$0x0]  }
0x21: {  	v0 =	vmax.f32 v0, $0.0e+00  }
0x22: {  	v0 =	vmin.f32 v0, $9.999900000e+04  }
0x23: {  	v2 =	vtrunc.f32 v0  }
0x24: {  	s3 =	simm.s32 $0x80;
	v2 =	vcvt.f32.s32 v2  }
.LBB2_2:
0x25: {  	s4 =	sshra.s32 s3, $0x2;
	p0 =	sne.s32 s3, $0x1C0;
	s3 =	sadd.s32 $0x40, s3;
	v3 =	vmul.f32 $1.000000000e+05, v1  }
.Ltmp2:
0x26: {  	v1 =	vld [tilespmem:s4+$0x0];
	[tilespmem:s1+$0x6400] =	vst v2;
	v4 =	vadd.s32 $0x1, v2;
	v2 =	vcvt.s32.f32 v2;
	(pc) =	sbr.rel @p0 .LBB2_2-.Ltmp2, $4  }
0x27: {  	v3 =	vmax.f32 v3, $0.0e+00;
	vm0 =	vlt.s32 v4, $0x1869F  }
0x28: {  	v4 =	vnsel vm0, $0x1869F, v4;
	v5 =	vsub.f32 v0, v2;
	v0 =	vmin.f32 v3, $9.999900000e+04  }
0x29: {  	v2 =	vtrunc.f32 v0;
	[tilespmem:s1+$0x6500] =	vst v4  }
0x2a: {  	v2 =	vcvt.f32.s32 v2;
	[tilespmem:s1+$0x6600] =	vst v5;
	s1 =	smov.u32 s0;
	s0 =	smov.u32 s4  }
0x2b: {  	v1 =	vmul.f32 $1.000000000e+05, v1;
	_ =	sdelay $0x1  }
0x2c: {  	v1 =	vmax.f32 v1, $0.0e+00  }
0x2d: {  	v1 =	vmin.f32 v1, $9.999900000e+04  }
0x2e: {  	v3 =	vadd.s32 $0x1, v2;
	v4 =	vcvt.s32.f32 v2;
	v5 =	vtrunc.f32 v1  }
0x2f: {  	vm0 =	vlt.s32 v3, $0x1869F;
	v5 =	vcvt.f32.s32 v5  }
0x30: {  	[tilespmem:s1+$0x6400] =	vst v2;
	v2 =	vnsel vm0, $0x1869F, v3;
	v0 =	vsub.f32 v0, v4  }
0x31: {  	[tilespmem:s1+$0x6500] =	vst v2;
	v2 =	vadd.s32 $0x1, v5;
	v3 =	vcvt.s32.f32 v5  }
0x32: {  	[tilespmem:s1+$0x6600] =	vst v0;
	vm15 =	vlt.s32 v2, $0x1869F  }
0x33: {  	[tilespmem:s0+$0x6400] =	vst v5;
	v0 =	vnsel vm15, $0x1869F, v2;
	v1 =	vsub.f32 v1, v3  }
0x34: {  	[tilespmem:s0+$0x6500] =	vst v0  }
0x35: {  	s28 =	simm.s32 $0x6400;
	s29 =	simm.s32 $0x6700;
	[tilespmem:s0+$0x6600] =	vst v1  }
0x36: {  	[tilespmem:s29], [sflag:$0x1] =	stream.indirect.gather [hbm4b:s2+s10], $0x80, s28, s10, $0xb8;
	[tilespmem:$0x1E700] =	vst v63  }
0x37: {  	s30 =	simm.s32 $0x6500;
	s31 =	simm.s32 $0xE700;
	s1 =	simm.s32 $0x0  }
0x38: {  	[tilespmem:s31], [sflag:$0x1] =	stream.indirect.gather [hbm4b:s2+s10], $0x80, s30, s10, $0xb8;
	[tilespmem:$0x1E700] =	vst v63  }
0x39: {  	v0 =	vld [tilespmem:s1+$0x80];
	_ =	sdelay $0x4  }
0x3a: {  	s0 =	simm.s32 $0x10;
	v0 =	vmul.f32 $1.000000000e+05, v0  }
0x3b: {  	v1 =	vld [tilespmem:s0+$0x80]  }
0x3c: {  	v0 =	vmax.f32 v0, $0.0e+00  }
0x3d: {  	v0 =	vmin.f32 v0, $9.999900000e+04  }
0x3e: {  	v2 =	vtrunc.f32 v0  }
0x3f: {  	s3 =	simm.s32 $0x80;
	v2 =	vcvt.f32.s32 v2  }
.LBB2_4:
0x40: {  	s4 =	sshra.s32 s3, $0x2;
	p0 =	sne.s32 s3, $0x1C0;
	s3 =	sadd.s32 $0x40, s3;
	v3 =	vmul.f32 $1.000000000e+05, v1  }
.Ltmp3:
0x41: {  	v1 =	vld [tilespmem:s4+$0x80];
	[tilespmem:s1+$0x6480] =	vst v2;
	v4 =	vadd.s32 $0x1, v2;
	v2 =	vcvt.s32.f32 v2;
	(pc) =	sbr.rel @p0 .LBB2_4-.Ltmp3, $4  }
0x42: {  	v3 =	vmax.f32 v3, $0.0e+00;
	vm0 =	vlt.s32 v4, $0x1869F  }
0x43: {  	v4 =	vnsel vm0, $0x1869F, v4;
	v5 =	vsub.f32 v0, v2;
	v0 =	vmin.f32 v3, $9.999900000e+04  }
0x44: {  	v2 =	vtrunc.f32 v0;
	[tilespmem:s1+$0x6580] =	vst v4  }
0x45: {  	v2 =	vcvt.f32.s32 v2;
	[tilespmem:s1+$0x6680] =	vst v5;
	s1 =	smov.u32 s0;
	s0 =	smov.u32 s4  }
0x46: {  	v1 =	vmul.f32 $1.000000000e+05, v1;
	_ =	sdelay $0x1  }
0x47: {  	v1 =	vmax.f32 v1, $0.0e+00  }
0x48: {  	v1 =	vmin.f32 v1, $9.999900000e+04  }
0x49: {  	v3 =	vadd.s32 $0x1, v2;
	v4 =	vcvt.s32.f32 v2;
	v5 =	vtrunc.f32 v1  }
0x4a: {  	vm0 =	vlt.s32 v3, $0x1869F;
	v5 =	vcvt.f32.s32 v5  }
0x4b: {  	[tilespmem:s1+$0x6480] =	vst v2;
	v60 =	vnsel vm0, $0x1869F, v3;
	v0 =	vsub.f32 v0, v4  }
0x4c: {  	[tilespmem:s1+$0x6580] =	vst v60;
	v61 =	vadd.s32 $0x1, v5;
	v62 =	vcvt.s32.f32 v5  }
0x4d: {  	[tilespmem:s1+$0x6680] =	vst v0;
	vm15 =	vlt.s32 v61, $0x1869F  }
0x4e: {  	[tilespmem:s0+$0x6480] =	vst v5;
	v63 =	vnsel vm15, $0x1869F, v61;
	v1 =	vsub.f32 v1, v62  }
0x4f: {  	s24 =	simm.s32 $0x6480;
	[tilespmem:s0+$0x6580] =	vst v63  }
0x50: {  	s25 =	simm.s32 $0xA700;
	s26 =	simm.s32 $0x6580;
	s31 =	simm.s32 $0x12700;
	[tilespmem:s0+$0x6680] =	vst v1  }
0x51: {  	[tilespmem:s25], [sflag:$0x2] =	stream.indirect.gather [hbm4b:s2+s10], $0x80, s24, s10, $0xb8;
	[tilespmem:$0x1E700] =	vst v63  }
0x52: {  	s28 =	simm.s32 $0x100;
	s29 =	simm.s32 $0x180;
	s30 =	simm.s32 $0x0  }
0x53: {  	[tilespmem:s31], [sflag:$0x2] =	stream.indirect.gather [hbm4b:s2+s10], $0x80, s26, s10, $0xb8;
	[tilespmem:$0x1E700] =	vst v63  }
.LBB2_6:
0x54: {  	_ =	swait.ge [sflag:s19], $0x4000  }
0x55: {  	[sflag:s19] =	ssyncset.done $0x0  }
0x56: {  	[sflag:s19] =	ssyncadd.s32 $0xFFFFC000  }
0x57: {  	_ =	swait.ge [sflag:s19], $0x4000  }
0x58: {  	p0 =	seq.s32 s30, $0x0;
	[sflag:s19] =	ssyncset.done $0x0  }
0x59: {  	s0 =	simm.s32 @!p0 $0x3;
	[sflag:s19] =	ssyncadd.s32 $0xFFFFC000  }
0x5a: {  	s3 =	simm.s32 $0x0;
	_ =	swait.ge @!p0 [sflag:s0], $0x4000  }
0x5b: {  	s1 =	sand.u32 $0x1C0, s3;
	[sflag:s0] =	ssyncset.done @!p0 $0x0  }
0x5c: {  	s12 =	sshrl.u32 s1, $0x2;
	[sflag:s0] =	ssyncadd.s32 @!p0 $0xFFFFC000  }
0x5d: {  	v0 =	vld [tilespmem:s12+$0x6600];
	_ =	sdelay $0x1  }
0x5e: {  	s0 =	simm.s32 $0xE740  }
0x5f: {  	s23 =	simm.s32 $0x6740;
	v2 =	vld [tilespmem:s0+$0xFFFFFFC0]  }
0x60: {  	v1 =	vmov s3;
	v3 =	vld [tilespmem:s23+$0xFFFFFFC0]  }
0x61: {  	v0 =	vperm.xlane v0, v1;
	_ =	sdelay $0x1  }
0x62: {  	v1 =	vsub.f32 $1.000000000e+00, v0;
	_ =	sdelay $0x1  }
0x63: {  	v2 =	vmul.f32 v2, v0;
	v3 =	vmul.f32 v3, v1;
	_ =	sdelay $0x1  }
0x64: {  	v2 =	vadd.f32 v2, v3  }
0x65: {  	s31 =	simm.s32 $0x16740  }
0x66: {  	[tilespmem:s31+$0xFFFFFFC0] =	vst v2  }
0x67: {  	s13 =	simm.s32 $0x4;
	v2 =	vld [tilespmem:s0+$0xFFFFFFD0]  }
0x68: {  	s1 =	sand.u32 $0x1C0, s13;
	v3 =	vld [tilespmem:s23+$0xFFFFFFD0]  }
0x69: {  	s1 =	sshrl.u32 s1, $0x2  }
0x6a: {  	v4 =	vld [tilespmem:s1+$0x6600];
	_ =	sdelay $0x1  }
0x6b: {  	s4 =	simm.s32 $0xE7C0  }
0x6c: {  	s14 =	simm.s32 $0x1;
	s5 =	simm.s32 $0x67C0;
	v5 =	vld [tilespmem:s4+$0xFFFFFFC0];
	v2 =	vmul.f32 v2, v0;
	v6 =	vmul.f32 v3, v1  }
0x6d: {  	v7 =	vld [tilespmem:s5+$0xFFFFFFC0];
	v3 =	vmov s14  }
0x6e: {  	v3 =	vperm.xlane v4, v3;
	v4 =	vadd.f32 v2, v6;
	_ =	sdelay $0x1  }
0x6f: {  	v2 =	vsub.f32 $1.000000000e+00, v3;
	[tilespmem:s31+$0xFFFFFFD0] =	vst v4  }
0x70: {  	v4 =	vld [tilespmem:s0+$0xFFFFFFE0]  }
0x71: {  	v5 =	vmul.f32 v5, v3;
	v6 =	vmul.f32 v7, v2;
	v7 =	vld [tilespmem:s23+$0xFFFFFFE0]  }
0x72: {  	s15 =	simm.s32 $0x8  }
0x73: {  	s16 =	sand.u32 $0x1C0, s15;
	v5 =	vadd.f32 v5, v6  }
0x74: {  	s3 =	sshrl.u32 s16, $0x2;
	s1 =	simm.s32 $0x167C0  }
0x75: {  	[tilespmem:s1+$0xFFFFFFC0] =	vst v5;
	v5 =	vld [tilespmem:s3+$0x6600]  }
0x76: {  	v6 =	vld [tilespmem:s4+$0xFFFFFFD0];
	v4 =	vmul.f32 v4, v0;
	v7 =	vmul.f32 v7, v1  }
0x77: {  	s9 =	simm.s32 $0xE840;
	v8 =	vld [tilespmem:s5+$0xFFFFFFD0]  }
0x78: {  	s17 =	simm.s32 $0x2;
	s24 =	simm.s32 $0x6840;
	v9 =	vld [tilespmem:s9+$0xFFFFFFC0];
	v7 =	vadd.f32 v4, v7  }
0x79: {  	v10 =	vld [tilespmem:s24+$0xFFFFFFC0];
	v4 =	vmov s17  }
0x7a: {  	v4 =	vperm.xlane v5, v4;
	[tilespmem:s31+$0xFFFFFFE0] =	vst v7  }
0x7b: {  	v7 =	vld [tilespmem:s0+$0xFFFFFFF0]  }
0x7c: {  	v6 =	vmul.f32 v6, v3;
	v8 =	vmul.f32 v8, v2;
	v11 =	vld [tilespmem:s23+$0xFFFFFFF0];
	v5 =	vsub.f32 $1.000000000e+00, v4;
	_ =	sdelay $0x1  }
0x7d: {  	v6 =	vadd.f32 v6, v8;
	v8 =	vmul.f32 v9, v4;
	v9 =	vmul.f32 v10, v5;
	_ =	sdelay $0x1  }
0x7e: {  	s18 =	simm.s32 $0xC;
	[tilespmem:s1+$0xFFFFFFD0] =	vst v6;
	v6 =	vadd.f32 v8, v9  }
0x7f: {  	s7 =	simm.s32 $0x16840;
	s3 =	sand.u32 $0x1C0, s18;
	v8 =	vld [tilespmem:s4+$0xFFFFFFE0];
	v7 =	vmul.f32 v7, v0;
	v9 =	vmul.f32 v11, v1  }
0x80: {  	s3 =	sshrl.u32 s3, $0x2;
	[tilespmem:s7+$0xFFFFFFC0] =	vst v6;
	v6 =	vld [tilespmem:s5+$0xFFFFFFE0]  }
0x81: {  	v11 =	vld [tilespmem:s3+$0x6600];
	v7 =	vadd.f32 v7, v9  }
0x82: {  	v10 =	vld [tilespmem:s9+$0xFFFFFFD0]  }
0x83: {  	v9 =	vld [tilespmem:s24+$0xFFFFFFD0];
	[tilespmem:s31+$0xFFFFFFF0] =	vst v7  }
0x84: {  	v7 =	vld [tilespmem:s23+$0x0]  }
0x85: {  	v8 =	vmul.f32 v8, v3;
	v12 =	vld [tilespmem:s0+$0x0];
	v6 =	vmul.f32 v6, v2  }
0x86: {  	s25 =	simm.s32 $0xE8C0  }
0x87: {  	s20 =	simm.s32 $0x3;
	s12 =	simm.s32 $0x68C0;
	v13 =	vld [tilespmem:s25+$0xFFFFFFC0];
	v8 =	vadd.f32 v8, v6  }
0x88: {  	v14 =	vld [tilespmem:s12+$0xFFFFFFC0];
	v10 =	vmul.f32 v10, v4;
	v6 =	vmov s20  }
0x89: {  	v9 =	vmul.f32 v9, v5;
	v6 =	vperm.xlane v11, v6;
	[tilespmem:s1+$0xFFFFFFE0] =	vst v8  }
0x8a: {  	v11 =	vmul.f32 v12, v0;
	v12 =	vmul.f32 v7, v1;
	v8 =	vld [tilespmem:s4+$0xFFFFFFF0]  }
0x8b: {  	v9 =	vadd.f32 v10, v9;
	v7 =	vsub.f32 $1.000000000e+00, v6;
	v10 =	vld [tilespmem:s5+$0xFFFFFFF0]  }
0x8c: {  	v11 =	vadd.f32 v11, v12  }
0x8d: {  	v12 =	vmul.f32 v13, v6;
	[tilespmem:s7+$0xFFFFFFD0] =	vst v9;
	v13 =	vmul.f32 v14, v7  }
0x8e: {  	v9 =	vld [tilespmem:s9+$0xFFFFFFE0];
	[tilespmem:s31+$0x0] =	vst v11  }
0x8f: {  	s22 =	simm.s32 $0x10;
	v11 =	vadd.f32 v12, v13;
	v12 =	vld [tilespmem:s23+$0x10]  }
0x90: {  	s11 =	simm.s32 $0x168C0;
	s3 =	sand.u32 $0x1C0, s22;
	v13 =	vld [tilespmem:s0+$0x10];
	v8 =	vmul.f32 v8, v3;
	v10 =	vmul.f32 v10, v2  }
0x91: {  	s3 =	sshrl.u32 s3, $0x2;
	[tilespmem:s11+$0xFFFFFFC0] =	vst v11;
	v11 =	vld [tilespmem:s24+$0xFFFFFFE0]  }
0x92: {  	v15 =	vld [tilespmem:s3+$0x6600];
	v8 =	vadd.f32 v8, v10  }
0x93: {  	v14 =	vld [tilespmem:s25+$0xFFFFFFD0]  }
0x94: {  	v10 =	vld [tilespmem:s12+$0xFFFFFFD0];
	[tilespmem:s1+$0xFFFFFFF0] =	vst v8  }
0x95: {  	v8 =	vmul.f32 v13, v0;
	v12 =	vmul.f32 v12, v1;
	v16 =	vld [tilespmem:s5+$0x0]  }
0x96: {  	v9 =	vmul.f32 v9, v4;
	v13 =	vld [tilespmem:s4+$0x0];
	v11 =	vmul.f32 v11, v5  }
0x97: {  	s14 =	simm.s32 $0xE940;
	v8 =	vadd.f32 v8, v12  }
0x98: {  	s6 =	simm.s32 $0x4;
	v17 =	vld [tilespmem:s14+$0xFFFFFFC0];
	s3 =	simm.s32 $0x6940;
	v9 =	vadd.f32 v9, v11  }
0x99: {  	v12 =	vmul.f32 v14, v6;
	v14 =	vld [tilespmem:s3+$0xFFFFFFC0];
	v11 =	vmov s6;
	[tilespmem:s31+$0x10] =	vst v8  }
0x9a: {  	v10 =	vmul.f32 v10, v7;
	v8 =	vperm.xlane v15, v11;
	v11 =	vld [tilespmem:s23+$0x20];
	[tilespmem:s7+$0xFFFFFFE0] =	vst v9  }
0x9b: {  	v13 =	vmul.f32 v13, v3;
	v16 =	vmul.f32 v16, v2;
	v15 =	vld [tilespmem:s9+$0xFFFFFFF0]  }
0x9c: {  	v10 =	vadd.f32 v12, v10;
	v9 =	vsub.f32 $1.000000000e+00, v8;
	v18 =	vld [tilespmem:s24+$0xFFFFFFF0]  }
0x9d: {  	s15 =	simm.s32 $0xE9C0;
	v19 =	vld [tilespmem:s0+$0x20];
	v13 =	vadd.f32 v13, v16  }
0x9e: {  	v12 =	vld [tilespmem:s15+$0xFFFFFFC0];
	[tilespmem:s11+$0xFFFFFFD0] =	vst v10;
	v16 =	vmul.f32 v17, v8;
	v14 =	vmul.f32 v14, v9  }
0x9f: {  	v10 =	vld [tilespmem:s25+$0xFFFFFFE0];
	[tilespmem:s1+$0x0] =	vst v13  }
0xa0: {  	v13 =	vadd.f32 v16, v14;
	v20 =	vld [tilespmem:s5+$0x10]  }
0xa1: {  	s13 =	simm.s32 $0x16940;
	v21 =	vld [tilespmem:s4+$0x10];
	v14 =	vmul.f32 v15, v4;
	v15 =	vmul.f32 v18, v5  }
0xa2: {  	s26 =	simm.s32 $0x14;
	v11 =	vmul.f32 v11, v1;
	v16 =	vld [tilespmem:s12+$0xFFFFFFE0];
	[tilespmem:s13+$0xFFFFFFC0] =	vst v13;
	v13 =	vmul.f32 v19, v0  }
0xa3: {  	s6 =	sand.u32 $0x1C0, s26;
	v19 =	vld [tilespmem:s14+$0xFFFFFFD0];
	v14 =	vadd.f32 v14, v15  }
0xa4: {  	s6 =	sshrl.u32 s6, $0x2;
	v17 =	vld [tilespmem:s3+$0xFFFFFFD0];
	v22 =	vadd.f32 v13, v11  }
0xa5: {  	s8 =	simm.s32 $0x5;
	s16 =	simm.s32 $0x169C0;
	s18 =	simm.s32 $0x69C0;
	v18 =	vmul.f32 v10, v6;
	v11 =	vld [tilespmem:s6+$0x6600];
	[tilespmem:s7+$0xFFFFFFF0] =	vst v14  }
0xa6: {  	s17 =	simm.s32 $0x69C0;
	s22 =	simm.s32 $0x6;
	s20 =	simm.s32 $0x18;
	v10 =	vmov s8;
	v14 =	vmul.f32 v21, v3;
	v15 =	vmul.f32 v20, v2;
	v13 =	vld [tilespmem:s24+$0x0];
	[tilespmem:s31+$0x20] =	vst v22  }
.LBB2_7:
0xa7: {  	s6 =	sand.u32 $0x1C0, s20  }
0xa8: {  	s18 =	sadd.s32 $0x80, s18;
	v16 =	vmul.f32 v16, v7;
	v20 =	vld [tilespmem:s9+$0x0];
	s26 =	smov.u32 s22;
	s8 =	sadd.s32 $0x1, s22  }
0xa9: {  	p1 =	sne.s32 s22, $0x7F;
	s6 =	sshrl.u32 s6, $0x2;
	v19 =	vmul.f32 v19, v8;
	v14 =	vadd.f32 v14, v15;
	v15 =	vld [tilespmem:s23+$0x30];
	s23 =	smov.u32 s5  }
0xaa: {  	s5 =	smov.u32 s24;
	s24 =	smov.u32 s12;
	s12 =	smov.u32 s3;
	v16 =	vadd.f32 v18, v16;
	v18 =	vld [tilespmem:s0+$0x30]  }
0xab: {  	s3 =	smov.u32 s17;
	s0 =	smov.u32 s4;
	v21 =	vld [tilespmem:s17+$0xFFFFFFC0];
	[tilespmem:s1+$0x10] =	vst v14;
	s17 =	smov.u32 s18  }
0xac: {  	s4 =	smov.u32 s9;
	s9 =	smov.u32 s25;
	s25 =	smov.u32 s14;
	v11 =	vperm.xlane v11, v10;
	v14 =	vmul.f32 v17, v9;
	[tilespmem:s11+$0xFFFFFFE0] =	vst v16;
	v17 =	vld [tilespmem:s23+$0x20]  }
0xad: {  	s14 =	smov.u32 s15;
	s15 =	sadd.s32 $0x80, s15;
	v13 =	vmul.f32 v13, v5;
	v16 =	vld [tilespmem:s9+$0xFFFFFFF0];
	v20 =	vmul.f32 v20, v4  }
0xae: {  	v10 =	vmov s26;
	v22 =	vsub.f32 $1.000000000e+00, v11;
	v14 =	vadd.f32 v19, v14;
	v19 =	vld [tilespmem:s24+$0xFFFFFFF0]  }
0xaf: {  	v23 =	vmul.f32 v15, v1;
	v13 =	vadd.f32 v20, v13;
	v20 =	vld [tilespmem:s0+$0x20];
	v18 =	vmul.f32 v18, v0;
	v0 =	vmovc v3  }
0xb0: {  	v15 =	vmul.f32 v12, v11;
	v3 =	vmovc v4;
	v4 =	vmov v6;
	v12 =	vld [tilespmem:s15+$0xFFFFFFC0];
	v21 =	vmul.f32 v21, v22;
	[tilespmem:s13+$0xFFFFFFD0] =	vst v14  }
0xb1: {  	v1 =	vmovc v2;
	v2 =	vmovc v5;
	v6 =	vmov v8;
	v8 =	vmov v11;
	v14 =	vld [tilespmem:s25+$0xFFFFFFE0];
	[tilespmem:s7+$0x0] =	vst v13;
	v13 =	vadd.f32 v18, v23  }
0xb2: {  	v5 =	vmovc v7;
	v7 =	vmovc v9;
	v9 =	vmov v22;
	v11 =	vadd.f32 v15, v21;
	v15 =	vmul.f32 v16, v4;
	v21 =	vld [tilespmem:s5+$0x10]  }
0xb3: {  	v18 =	vmul.f32 v19, v5;
	v22 =	vld [tilespmem:s4+$0x10];
	[tilespmem:s31+$0x30] =	vst v13;
	s31 =	smov.u32 s1;
	s1 =	smov.u32 s7;
	s7 =	smov.u32 s11  }
.Ltmp4:
0xb4: {  	v13 =	vmul.f32 v17, v1;
	s11 =	smov.u32 s13;
	s13 =	smov.u32 s16;
	[tilespmem:s16+$0xFFFFFFC0] =	vst v11;
	v16 =	vld [tilespmem:s12+$0xFFFFFFE0];
	v11 =	vmul.f32 v20, v0;
	(pc) =	sbr.rel @p1 .LBB2_7-.Ltmp4, $4  }
0xb5: {  	v19 =	vld [tilespmem:s14+$0xFFFFFFD0];
	v15 =	vadd.f32 v15, v18  }
0xb6: {  	s16 =	sadd.s32 $0x80, s16;
	v17 =	vld [tilespmem:s3+$0xFFFFFFD0];
	v20 =	vadd.f32 v11, v13  }
0xb7: {  	v18 =	vmul.f32 v14, v6;
	v11 =	vld [tilespmem:s6+$0x6600];
	[tilespmem:s7+$0xFFFFFFF0] =	vst v15  }
0xb8: {  	s20 =	sadd.s32 $0x4, s20;
	s22 =	smov.u32 s8;
	v15 =	vmul.f32 v21, v2;
	v13 =	vld [tilespmem:s24+$0x0];
	v14 =	vmul.f32 v22, v3;
	[tilespmem:s31+$0x20] =	vst v20  }
0xb9: {  	_ =	sdelay $0x1  }
0xba: {  	v20 =	vld [tilespmem:s17+$0xFFFFFFC0]  }
0xbb: {  	v10 =	vperm.xlane v11, v10;
	_ =	sdelay $0x1  }
0xbc: {  	v11 =	vsub.f32 $1.000000000e+00, v10;
	_ =	sdelay $0x1  }
0xbd: {  	v12 =	vmul.f32 v12, v10;
	v20 =	vmul.f32 v20, v11;
	_ =	sdelay $0x1  }
0xbe: {  	v12 =	vadd.f32 v12, v20;
	_ =	sdelay $0x1  }
0xbf: {  	[tilespmem:s16+$0xFFFFFFC0] =	vst v12  }
0xc0: {  	v12 =	vld [tilespmem:s15+$0xFFFFFFD0]  }
0xc1: {  	v52 =	vld [tilespmem:s17+$0xFFFFFFD0];
	_ =	sdelay $0x2  }
0xc2: {  	v19 =	vmul.f32 v19, v8;
	v17 =	vmul.f32 v17, v9;
	_ =	sdelay $0x1  }
0xc3: {  	v17 =	vadd.f32 v19, v17;
	v12 =	vmul.f32 v12, v10;
	v53 =	vmul.f32 v52, v11;
	_ =	sdelay $0x1  }
0xc4: {  	[tilespmem:s13+$0xFFFFFFD0] =	vst v17;
	v12 =	vadd.f32 v12, v53  }
0xc5: {  	v17 =	vld [tilespmem:s14+$0xFFFFFFE0]  }
0xc6: {  	v54 =	vld [tilespmem:s3+$0xFFFFFFE0];
	[tilespmem:s16+$0xFFFFFFD0] =	vst v12  }
0xc7: {  	v16 =	vmul.f32 v16, v7;
	v12 =	vld [tilespmem:s15+$0xFFFFFFE0]  }
0xc8: {  	v55 =	vld [tilespmem:s17+$0xFFFFFFE0]  }
0xc9: {  	v16 =	vadd.f32 v18, v16;
	_ =	sdelay $0x1  }
0xca: {  	[tilespmem:s11+$0xFFFFFFE0] =	vst v16;
	v17 =	vmul.f32 v17, v8;
	v56 =	vmul.f32 v54, v9  }
0xcb: {  	v59 =	vld [tilespmem:s25+$0xFFFFFFF0]  }
0xcc: {  	v60 =	vld [tilespmem:s12+$0xFFFFFFF0];
	v57 =	vadd.f32 v17, v56;
	v12 =	vmul.f32 v12, v10;
	v58 =	vmul.f32 v55, v11;
	_ =	sdelay $0x1  }
0xcd: {  	[tilespmem:s13+$0xFFFFFFE0] =	vst v57;
	v12 =	vadd.f32 v12, v58  }
0xce: {  	v16 =	vld [tilespmem:s14+$0xFFFFFFF0]  }
0xcf: {  	v61 =	vld [tilespmem:s3+$0xFFFFFFF0];
	[tilespmem:s16+$0xFFFFFFE0] =	vst v12  }
0xd0: {  	v18 =	vmul.f32 v59, v6;
	v19 =	vmul.f32 v60, v7;
	v12 =	vld [tilespmem:s15+$0xFFFFFFF0]  }
0xd1: {  	v62 =	vld [tilespmem:s17+$0xFFFFFFF0]  }
0xd2: {  	v18 =	vadd.f32 v18, v19;
	_ =	sdelay $0x1  }
0xd3: {  	[tilespmem:s11+$0xFFFFFFF0] =	vst v18;
	v16 =	vmul.f32 v16, v8;
	v17 =	vmul.f32 v61, v9  }
0xd4: {  	v18 =	vld [tilespmem:s12+$0x0]  }
0xd5: {  	v25 =	vld [tilespmem:s25+$0x0];
	v16 =	vadd.f32 v16, v17;
	v12 =	vmul.f32 v12, v10;
	v24 =	vmul.f32 v62, v11;
	_ =	sdelay $0x1  }
0xd6: {  	v63 =	vld [tilespmem:s9+$0x0];
	[tilespmem:s13+$0xFFFFFFF0] =	vst v16;
	v12 =	vadd.f32 v12, v24  }
0xd7: {  	v16 =	vld [tilespmem:s3+$0x0]  }
0xd8: {  	v26 =	vld [tilespmem:s14+$0x0];
	[tilespmem:s16+$0xFFFFFFF0] =	vst v12  }
0xd9: {  	v29 =	vmul.f32 v25, v6;
	v18 =	vmul.f32 v18, v7;
	v28 =	vld [tilespmem:s17+$0x0]  }
0xda: {  	v21 =	vld [tilespmem:s15+$0x0]  }
0xdb: {  	v13 =	vmul.f32 v13, v5;
	v27 =	vmul.f32 v63, v4;
	v30 =	vadd.f32 v29, v18;
	_ =	sdelay $0x1  }
0xdc: {  	[tilespmem:s11+$0x0] =	vst v30;
	v31 =	vmul.f32 v26, v8;
	v16 =	vmul.f32 v16, v9;
	v12 =	vadd.f32 v27, v13  }
0xdd: {  	v37 =	vld [tilespmem:s12+$0x10]  }
0xde: {  	v38 =	vld [tilespmem:s25+$0x10];
	v34 =	vadd.f32 v31, v16;
	[tilespmem:s7+$0x0] =	vst v12;
	v35 =	vmul.f32 v21, v10;
	v36 =	vmul.f32 v28, v11  }
0xdf: {  	v32 =	vld [tilespmem:s24+$0x10]  }
0xe0: {  	[tilespmem:s13+$0x0] =	vst v34;
	v33 =	vld [tilespmem:s9+$0x10];
	v39 =	vadd.f32 v35, v36  }
0xe1: {  	v40 =	vld [tilespmem:s3+$0x10]  }
0xe2: {  	v42 =	vadd.f32 v14, v15;
	v41 =	vld [tilespmem:s14+$0x10];
	[tilespmem:s16+$0x0] =	vst v39  }
0xe3: {  	v48 =	vmul.f32 v38, v6;
	v49 =	vmul.f32 v37, v7;
	v45 =	vld [tilespmem:s17+$0x10]  }
0xe4: {  	[tilespmem:s1+$0x10] =	vst v42;
	v46 =	vld [tilespmem:s15+$0x10]  }
0xe5: {  	v50 =	vld [tilespmem:s5+$0x20];
	v52 =	vadd.f32 v48, v49;
	v43 =	vmul.f32 v33, v4;
	v44 =	vmul.f32 v32, v5  }
0xe6: {  	v51 =	vld [tilespmem:s4+$0x20]  }
0xe7: {  	v22 =	vld [tilespmem:s0+$0x30];
	[tilespmem:s11+$0x10] =	vst v52;
	v53 =	vmul.f32 v41, v8;
	v13 =	vmul.f32 v40, v9;
	v47 =	vadd.f32 v43, v44  }
0xe8: {  	v59 =	vld [tilespmem:s12+$0x20]  }
0xe9: {  	v60 =	vld [tilespmem:s25+$0x20];
	v56 =	vadd.f32 v53, v13;
	[tilespmem:s7+$0x10] =	vst v47;
	v57 =	vmul.f32 v46, v10;
	v58 =	vmul.f32 v45, v11  }
0xea: {  	v54 =	vld [tilespmem:s24+$0x20]  }
0xeb: {  	v63 =	vmul.f32 v50, v2;
	v62 =	vmul.f32 v51, v3;
	[tilespmem:s13+$0x10] =	vst v56;
	v55 =	vld [tilespmem:s9+$0x20];
	v61 =	vadd.f32 v57, v58  }
0xec: {  	v24 =	vld [tilespmem:s3+$0x20]  }
0xed: {  	v26 =	vadd.f32 v62, v63;
	v25 =	vld [tilespmem:s14+$0x20];
	[tilespmem:s16+$0x10] =	vst v61  }
0xee: {  	v32 =	vmul.f32 v60, v6;
	v33 =	vmul.f32 v59, v7;
	v29 =	vld [tilespmem:s17+$0x20]  }
0xef: {  	[tilespmem:s1+$0x20] =	vst v26;
	v30 =	vld [tilespmem:s15+$0x20]  }
0xf0: {  	v34 =	vld [tilespmem:s5+$0x30];
	v36 =	vadd.f32 v32, v33;
	v27 =	vmul.f32 v55, v4;
	v28 =	vmul.f32 v54, v5  }
0xf1: {  	v21 =	vld [tilespmem:s23+$0x30]  }
0xf2: {  	v35 =	vld [tilespmem:s4+$0x30];
	v37 =	vmul.f32 v25, v8;
	v38 =	vmul.f32 v24, v9;
	[tilespmem:s11+$0x20] =	vst v36;
	v31 =	vadd.f32 v27, v28  }
0xf3: {  	v44 =	vld [tilespmem:s12+$0x30]  }
0xf4: {  	v41 =	vadd.f32 v37, v38;
	v45 =	vld [tilespmem:s25+$0x30];
	[tilespmem:s7+$0x20] =	vst v31;
	v42 =	vmul.f32 v30, v10;
	v43 =	vmul.f32 v29, v11  }
0xf5: {  	v39 =	vld [tilespmem:s24+$0x30]  }
0xf6: {  	[tilespmem:s13+$0x20] =	vst v41;
	v40 =	vld [tilespmem:s9+$0x30];
	v46 =	vadd.f32 v42, v43  }
0xf7: {  	v47 =	vld [tilespmem:s3+$0x30]  }
0xf8: {  	v0 =	vmul.f32 v22, v0;
	v1 =	vmul.f32 v21, v1;
	v48 =	vld [tilespmem:s14+$0x30];
	[tilespmem:s16+$0x20] =	vst v46  }
0xf9: {  	v51 =	vmul.f32 v34, v2;
	v50 =	vmul.f32 v35, v3;
	v12 =	vld [tilespmem:s17+$0x30]  }
0xfa: {  	v0 =	vadd.f32 v0, v1;
	v55 =	vmul.f32 v44, v7;
	v54 =	vmul.f32 v45, v6;
	v49 =	vld [tilespmem:s15+$0x30]  }
0xfb: {  	v2 =	vadd.f32 v50, v51;
	v52 =	vmul.f32 v40, v4;
	v53 =	vmul.f32 v39, v5  }
0xfc: {  	[tilespmem:s31+$0x30] =	vst v0;
	v59 =	vadd.f32 v54, v55  }
0xfd: {  	[tilespmem:s1+$0x30] =	vst v2;
	v56 =	vadd.f32 v52, v53  }
0xfe: {  	v57 =	vmul.f32 v48, v8;
	v58 =	vmul.f32 v47, v9;
	[tilespmem:s11+$0x30] =	vst v59  }
0xff: {  	p1 =	seq.s32 s30, $0x63;
	[tilespmem:s7+$0x30] =	vst v56;
	v60 =	vmul.f32 v49, v10;
	v61 =	vmul.f32 v12, v11  }
.Ltmp5:
0x100: {  	s25 =	sshll.u32 s30, $0xF;
	v62 =	vadd.f32 v57, v58;
	s1 =	rddreg [dreg:$0x5];
	(pc) =	sbr.rel @p1 .LBB2_12-.Ltmp5, $4  }
0x101: {  	s0 =	sadd.s32 s1, s25;
	v63 =	vadd.f32 v60, v61  }
0x102: {  	s26 =	rddreg [dreg:$0x2];
	[tilespmem:s13+$0x30] =	vst v62;
	s0 =	sshrl.u32 s0, $0x3  }
0x103: {  	s31 =	simm.s32 $0x16700;
	s1 =	simm.s32 $0x0;
	s0 =	sadd.s32 s26, s0;
	[tilespmem:s16+$0x30] =	vst v63  }
0x104: {  	[hbm4b:s0+s1] =	stream.linear.scatter [tilespmem:s31], [sflag:$0x3], $0x4000, $0x38;
	[tilespmem:$0x1E700] =	vst v63  }
0x105: {  	s0 =	sadd.s32 $0x0, s28  }
0x106: {  	v0 =	vld [tilespmem:s0+$0x0];
	_ =	sdelay $0x2  }
0x107: {  	s31 =	sadd.s32 $0x10, s28  }
0x108: {  	v1 =	vld [tilespmem:s31+$0x0]  }
0x109: {  	v0 =	vmul.f32 $1.000000000e+05, v0;
	_ =	sdelay $0x1  }
0x10a: {  	v0 =	vmax.f32 v0, $0.0e+00  }
0x10b: {  	v2 =	vmin.f32 v0, $9.999900000e+04  }
0x10c: {  	v1 =	vmul.f32 $1.000000000e+05, v1;
	v0 =	vtrunc.f32 v2  }
0x10d: {  	v0 =	vcvt.f32.s32 v0  }
0x10e: {  	s3 =	simm.s32 $0x0;
	s6 =	sadd.s32 $0x20, s28;
	v1 =	vmax.f32 v1, $0.0e+00  }
0x10f: {  	v3 =	vadd.s32 $0x1, v0;
	v4 =	vcvt.s32.f32 v0;
	[tilespmem:s3+$0x6400] =	vst v0;
	v0 =	vmin.f32 v1, $9.999900000e+04;
	v1 =	vld [tilespmem:s6+$0x0]  }
0x110: {  	vm0 =	vlt.s32 v3, $0x1869F  }
0x111: {  	v5 =	vnsel vm0, $0x1869F, v3;
	v2 =	vsub.f32 v2, v4  }
0x112: {  	s4 =	simm.s32 $0x10;
	s5 =	simm.s32 $0xC0;
	s0 =	simm.s32 $0x20;
	v3 =	vtrunc.f32 v0;
	[tilespmem:s3+$0x6500] =	vst v5  }
.LBB2_10:
0x113: {  	s6 =	sshra.s32 s5, $0x2;
	p2 =	sne.s32 s5, $0x1C0;
	s5 =	sadd.s32 $0x40, s5;
	v3 =	vcvt.f32.s32 v3;
	[tilespmem:s3+$0x6600] =	vst v2  }
.Ltmp6:
0x114: {  	s3 =	smov.u32 s4;
	s7 =	sadd.s32 s6, s28;
	v2 =	vmul.f32 $1.000000000e+05, v1;
	(pc) =	sbr.rel @p2 .LBB2_10-.Ltmp6, $4  }
0x115: {  	s4 =	smov.u32 s0;
	s0 =	smov.u32 s6;
	v1 =	vld [tilespmem:s7+$0x0];
	[tilespmem:s3+$0x6400] =	vst v3;
	v4 =	vadd.s32 $0x1, v3;
	v3 =	vcvt.s32.f32 v3  }
0x116: {  	v5 =	vmax.f32 v2, $0.0e+00;
	vm0 =	vlt.s32 v4, $0x1869F  }
0x117: {  	v4 =	vnsel vm0, $0x1869F, v4;
	v2 =	vsub.f32 v0, v3;
	v0 =	vmin.f32 v5, $9.999900000e+04  }
0x118: {  	v3 =	vtrunc.f32 v0;
	[tilespmem:s3+$0x6500] =	vst v4  }
0x119: {  	_ = 	snop  }
0x11a: {  	v1 =	vmul.f32 $1.000000000e+05, v1;
	_ =	sdelay $0x1  }
0x11b: {  	v3 =	vcvt.f32.s32 v3;
	v1 =	vmax.f32 v1, $0.0e+00  }
0x11c: {  	v1 =	vmin.f32 v1, $9.999900000e+04  }
0x11d: {  	v4 =	vadd.s32 $0x1, v3;
	v5 =	vcvt.s32.f32 v3;
	v6 =	vtrunc.f32 v1  }
0x11e: {  	[tilespmem:s3+$0x6600] =	vst v2;
	vm0 =	vlt.s32 v4, $0x1869F;
	v59 =	vcvt.f32.s32 v6  }
0x11f: {  	[tilespmem:s4+$0x6400] =	vst v3;
	v60 =	vnsel vm0, $0x1869F, v4;
	v0 =	vsub.f32 v0, v5  }
0x120: {  	[tilespmem:s4+$0x6500] =	vst v60;
	v61 =	vadd.s32 $0x1, v59;
	v62 =	vcvt.s32.f32 v59  }
0x121: {  	[tilespmem:s4+$0x6600] =	vst v0;
	vm15 =	vlt.s32 v61, $0x1869F  }
0x122: {  	[tilespmem:s0+$0x6400] =	vst v59;
	v63 =	vnsel vm15, $0x1869F, v61;
	v1 =	vsub.f32 v1, v62  }
0x123: {  	[tilespmem:s0+$0x6500] =	vst v63  }
0x124: {  	s24 =	simm.s32 $0x6400;
	s25 =	simm.s32 $0x6700;
	[tilespmem:s0+$0x6600] =	vst v1  }
0x125: {  	[tilespmem:s25], [sflag:$0x1] =	stream.indirect.gather [hbm4b:s2+s10], $0x80, s24, s10, $0xb8;
	[tilespmem:$0x1E700] =	vst v63  }
0x126: {  	s26 =	simm.s32 $0x6500;
	s31 =	simm.s32 $0xE700  }
0x127: {  	[tilespmem:s31], [sflag:$0x1] =	stream.indirect.gather [hbm4b:s2+s10], $0x80, s26, s10, $0xb8;
	[tilespmem:$0x1E700] =	vst v63  }
.LBB2_12:
0x128: {  	_ =	swait.ge [sflag:s21], $0x4000  }
0x129: {  	[sflag:s21] =	ssyncset.done $0x0  }
0x12a: {  	[sflag:s21] =	ssyncadd.s32 $0xFFFFC000  }
0x12b: {  	_ =	swait.ge [sflag:s21], $0x4000  }
0x12c: {  	[sflag:s21] =	ssyncset.done $0x0  }
0x12d: {  	s0 =	simm.s32 @!p0 $0x4;
	[sflag:s21] =	ssyncadd.s32 $0xFFFFC000  }
0x12e: {  	_ =	swait.ge @!p0 [sflag:s0], $0x4000  }
0x12f: {  	s3 =	sand.u32 $0x1C0, s1;
	[sflag:s0] =	ssyncset.done @!p0 $0x0  }
0x130: {  	s12 =	sshrl.u32 s3, $0x2;
	[sflag:s0] =	ssyncadd.s32 @!p0 $0xFFFFC000  }
0x131: {  	v0 =	vld [tilespmem:s12+$0x6680];
	_ =	sdelay $0x1  }
0x132: {  	s0 =	simm.s32 $0x12740  }
0x133: {  	s23 =	simm.s32 $0xA740;
	v2 =	vld [tilespmem:s0+$0xFFFFFFC0]  }
0x134: {  	v1 =	vmov s1;
	v3 =	vld [tilespmem:s23+$0xFFFFFFC0]  }
0x135: {  	v0 =	vperm.xlane v0, v1;
	_ =	sdelay $0x1  }
0x136: {  	v1 =	vsub.f32 $1.000000000e+00, v0;
	_ =	sdelay $0x1  }
0x137: {  	v2 =	vmul.f32 v2, v0;
	v3 =	vmul.f32 v3, v1;
	_ =	sdelay $0x1  }
0x138: {  	v2 =	vadd.f32 v2, v3  }
0x139: {  	s31 =	simm.s32 $0x1A740  }
0x13a: {  	[tilespmem:s31+$0xFFFFFFC0] =	vst v2  }
0x13b: {  	s13 =	simm.s32 $0x4;
	v2 =	vld [tilespmem:s0+$0xFFFFFFD0]  }
0x13c: {  	s1 =	sand.u32 $0x1C0, s13;
	v3 =	vld [tilespmem:s23+$0xFFFFFFD0]  }
0x13d: {  	s1 =	sshrl.u32 s1, $0x2  }
0x13e: {  	v4 =	vld [tilespmem:s1+$0x6680];
	_ =	sdelay $0x1  }
0x13f: {  	s4 =	simm.s32 $0x127C0  }
0x140: {  	s14 =	simm.s32 $0x1;
	s5 =	simm.s32 $0xA7C0;
	v5 =	vld [tilespmem:s4+$0xFFFFFFC0];
	v2 =	vmul.f32 v2, v0;
	v6 =	vmul.f32 v3, v1  }
0x141: {  	v7 =	vld [tilespmem:s5+$0xFFFFFFC0];
	v3 =	vmov s14  }
0x142: {  	v3 =	vperm.xlane v4, v3;
	v4 =	vadd.f32 v2, v6;
	_ =	sdelay $0x1  }
0x143: {  	v2 =	vsub.f32 $1.000000000e+00, v3;
	[tilespmem:s31+$0xFFFFFFD0] =	vst v4  }
0x144: {  	v4 =	vld [tilespmem:s0+$0xFFFFFFE0]  }
0x145: {  	v5 =	vmul.f32 v5, v3;
	v6 =	vmul.f32 v7, v2;
	v7 =	vld [tilespmem:s23+$0xFFFFFFE0]  }
0x146: {  	s15 =	simm.s32 $0x8  }
0x147: {  	s16 =	sand.u32 $0x1C0, s15;
	v5 =	vadd.f32 v5, v6  }
0x148: {  	s3 =	sshrl.u32 s16, $0x2;
	s1 =	simm.s32 $0x1A7C0  }
0x149: {  	[tilespmem:s1+$0xFFFFFFC0] =	vst v5;
	v5 =	vld [tilespmem:s3+$0x6680]  }
0x14a: {  	v6 =	vld [tilespmem:s4+$0xFFFFFFD0];
	v4 =	vmul.f32 v4, v0;
	v7 =	vmul.f32 v7, v1  }
0x14b: {  	s9 =	simm.s32 $0x12840;
	v8 =	vld [tilespmem:s5+$0xFFFFFFD0]  }
0x14c: {  	s17 =	simm.s32 $0x2;
	s24 =	simm.s32 $0xA840;
	v9 =	vld [tilespmem:s9+$0xFFFFFFC0];
	v7 =	vadd.f32 v4, v7  }
0x14d: {  	v10 =	vld [tilespmem:s24+$0xFFFFFFC0];
	v4 =	vmov s17  }
0x14e: {  	v4 =	vperm.xlane v5, v4;
	[tilespmem:s31+$0xFFFFFFE0] =	vst v7  }
0x14f: {  	v7 =	vld [tilespmem:s0+$0xFFFFFFF0]  }
0x150: {  	v6 =	vmul.f32 v6, v3;
	v8 =	vmul.f32 v8, v2;
	v11 =	vld [tilespmem:s23+$0xFFFFFFF0];
	v5 =	vsub.f32 $1.000000000e+00, v4;
	_ =	sdelay $0x1  }
0x151: {  	v6 =	vadd.f32 v6, v8;
	v8 =	vmul.f32 v9, v4;
	v9 =	vmul.f32 v10, v5;
	_ =	sdelay $0x1  }
0x152: {  	s18 =	simm.s32 $0xC;
	[tilespmem:s1+$0xFFFFFFD0] =	vst v6;
	v6 =	vadd.f32 v8, v9  }
0x153: {  	s7 =	simm.s32 $0x1A840;
	s3 =	sand.u32 $0x1C0, s18;
	v8 =	vld [tilespmem:s4+$0xFFFFFFE0];
	v7 =	vmul.f32 v7, v0;
	v9 =	vmul.f32 v11, v1  }
0x154: {  	s3 =	sshrl.u32 s3, $0x2;
	[tilespmem:s7+$0xFFFFFFC0] =	vst v6;
	v6 =	vld [tilespmem:s5+$0xFFFFFFE0]  }
0x155: {  	v11 =	vld [tilespmem:s3+$0x6680];
	v7 =	vadd.f32 v7, v9  }
0x156: {  	v10 =	vld [tilespmem:s9+$0xFFFFFFD0]  }
0x157: {  	v9 =	vld [tilespmem:s24+$0xFFFFFFD0];
	[tilespmem:s31+$0xFFFFFFF0] =	vst v7  }
0x158: {  	v7 =	vld [tilespmem:s23+$0x0]  }
0x159: {  	v8 =	vmul.f32 v8, v3;
	v12 =	vld [tilespmem:s0+$0x0];
	v6 =	vmul.f32 v6, v2  }
0x15a: {  	s25 =	simm.s32 $0x128C0  }
0x15b: {  	s20 =	simm.s32 $0x3;
	s12 =	simm.s32 $0xA8C0;
	v13 =	vld [tilespmem:s25+$0xFFFFFFC0];
	v8 =	vadd.f32 v8, v6  }
0x15c: {  	v14 =	vld [tilespmem:s12+$0xFFFFFFC0];
	v10 =	vmul.f32 v10, v4;
	v6 =	vmov s20  }
0x15d: {  	v9 =	vmul.f32 v9, v5;
	v6 =	vperm.xlane v11, v6;
	[tilespmem:s1+$0xFFFFFFE0] =	vst v8  }
0x15e: {  	v11 =	vmul.f32 v12, v0;
	v12 =	vmul.f32 v7, v1;
	v8 =	vld [tilespmem:s4+$0xFFFFFFF0]  }
0x15f: {  	v9 =	vadd.f32 v10, v9;
	v7 =	vsub.f32 $1.000000000e+00, v6;
	v10 =	vld [tilespmem:s5+$0xFFFFFFF0]  }
0x160: {  	v11 =	vadd.f32 v11, v12  }
0x161: {  	v12 =	vmul.f32 v13, v6;
	[tilespmem:s7+$0xFFFFFFD0] =	vst v9;
	v13 =	vmul.f32 v14, v7  }
0x162: {  	v9 =	vld [tilespmem:s9+$0xFFFFFFE0];
	[tilespmem:s31+$0x0] =	vst v11  }
0x163: {  	s22 =	simm.s32 $0x10;
	v11 =	vadd.f32 v12, v13;
	v12 =	vld [tilespmem:s23+$0x10]  }
0x164: {  	s11 =	simm.s32 $0x1A8C0;
	s3 =	sand.u32 $0x1C0, s22;
	v13 =	vld [tilespmem:s0+$0x10];
	v8 =	vmul.f32 v8, v3;
	v10 =	vmul.f32 v10, v2  }
0x165: {  	s3 =	sshrl.u32 s3, $0x2;
	[tilespmem:s11+$0xFFFFFFC0] =	vst v11;
	v11 =	vld [tilespmem:s24+$0xFFFFFFE0]  }
0x166: {  	v15 =	vld [tilespmem:s3+$0x6680];
	v8 =	vadd.f32 v8, v10  }
0x167: {  	v14 =	vld [tilespmem:s25+$0xFFFFFFD0]  }
0x168: {  	v10 =	vld [tilespmem:s12+$0xFFFFFFD0];
	[tilespmem:s1+$0xFFFFFFF0] =	vst v8  }
0x169: {  	v8 =	vmul.f32 v13, v0;
	v12 =	vmul.f32 v12, v1;
	v16 =	vld [tilespmem:s5+$0x0]  }
0x16a: {  	v9 =	vmul.f32 v9, v4;
	v13 =	vld [tilespmem:s4+$0x0];
	v11 =	vmul.f32 v11, v5  }
0x16b: {  	s13 =	simm.s32 $0x12940;
	v8 =	vadd.f32 v8, v12  }
0x16c: {  	s6 =	simm.s32 $0x4;
	v17 =	vld [tilespmem:s13+$0xFFFFFFC0];
	s3 =	simm.s32 $0xA940;
	v9 =	vadd.f32 v9, v11  }
0x16d: {  	v12 =	vmul.f32 v14, v6;
	v14 =	vld [tilespmem:s3+$0xFFFFFFC0];
	v11 =	vmov s6;
	[tilespmem:s31+$0x10] =	vst v8  }
0x16e: {  	v10 =	vmul.f32 v10, v7;
	v8 =	vperm.xlane v15, v11;
	v11 =	vld [tilespmem:s23+$0x20];
	[tilespmem:s7+$0xFFFFFFE0] =	vst v9  }
0x16f: {  	v13 =	vmul.f32 v13, v3;
	v16 =	vmul.f32 v16, v2;
	v15 =	vld [tilespmem:s9+$0xFFFFFFF0]  }
0x170: {  	v10 =	vadd.f32 v12, v10;
	v9 =	vsub.f32 $1.000000000e+00, v8;
	v18 =	vld [tilespmem:s24+$0xFFFFFFF0]  }
0x171: {  	s15 =	simm.s32 $0x129C0;
	v19 =	vld [tilespmem:s0+$0x20];
	v13 =	vadd.f32 v13, v16  }
0x172: {  	v12 =	vld [tilespmem:s15+$0xFFFFFFC0];
	[tilespmem:s11+$0xFFFFFFD0] =	vst v10;
	v16 =	vmul.f32 v17, v8;
	v14 =	vmul.f32 v14, v9  }
0x173: {  	v10 =	vld [tilespmem:s25+$0xFFFFFFE0];
	[tilespmem:s1+$0x0] =	vst v13  }
0x174: {  	v13 =	vadd.f32 v16, v14;
	v20 =	vld [tilespmem:s5+$0x10]  }
0x175: {  	s14 =	simm.s32 $0x1A940;
	v21 =	vld [tilespmem:s4+$0x10];
	v14 =	vmul.f32 v15, v4;
	v15 =	vmul.f32 v18, v5  }
0x176: {  	s26 =	simm.s32 $0x14;
	v11 =	vmul.f32 v11, v1;
	v16 =	vld [tilespmem:s12+$0xFFFFFFE0];
	[tilespmem:s14+$0xFFFFFFC0] =	vst v13;
	v13 =	vmul.f32 v19, v0  }
0x177: {  	s6 =	sand.u32 $0x1C0, s26;
	v19 =	vld [tilespmem:s13+$0xFFFFFFD0];
	v14 =	vadd.f32 v14, v15  }
0x178: {  	s6 =	sshrl.u32 s6, $0x2;
	v17 =	vld [tilespmem:s3+$0xFFFFFFD0];
	v22 =	vadd.f32 v13, v11  }
0x179: {  	s8 =	simm.s32 $0x6;
	s16 =	simm.s32 $0x5;
	s18 =	simm.s32 $0xA9C0;
	v18 =	vmul.f32 v10, v6;
	v11 =	vld [tilespmem:s6+$0x6680];
	[tilespmem:s7+$0xFFFFFFF0] =	vst v14  }
0x17a: {  	s17 =	simm.s32 $0xA9C0;
	s20 =	simm.s32 $0x18;
	v10 =	vmov s16;
	s16 =	simm.s32 $0x1A9C0;
	v14 =	vmul.f32 v21, v3;
	v15 =	vmul.f32 v20, v2;
	v13 =	vld [tilespmem:s24+$0x0];
	[tilespmem:s31+$0x20] =	vst v22  }
.LBB2_13:
0x17b: {  	s6 =	sand.u32 $0x1C0, s20  }
0x17c: {  	s18 =	sadd.s32 $0x80, s18;
	v16 =	vmul.f32 v16, v7;
	v20 =	vld [tilespmem:s9+$0x0];
	s26 =	smov.u32 s8;
	s22 =	sadd.s32 $0x1, s8  }
0x17d: {  	p0 =	sne.s32 s8, $0x7F;
	s6 =	sshrl.u32 s6, $0x2;
	v19 =	vmul.f32 v19, v8;
	v14 =	vadd.f32 v14, v15;
	v15 =	vld [tilespmem:s23+$0x30];
	s23 =	smov.u32 s5  }
0x17e: {  	s5 =	smov.u32 s24;
	s24 =	smov.u32 s12;
	s12 =	smov.u32 s3;
	v16 =	vadd.f32 v18, v16;
	v18 =	vld [tilespmem:s0+$0x30]  }
0x17f: {  	s3 =	smov.u32 s17;
	s0 =	smov.u32 s4;
	v21 =	vld [tilespmem:s17+$0xFFFFFFC0];
	[tilespmem:s1+$0x10] =	vst v14;
	s17 =	smov.u32 s18  }
0x180: {  	s4 =	smov.u32 s9;
	s9 =	smov.u32 s25;
	s25 =	smov.u32 s13;
	v11 =	vperm.xlane v11, v10;
	v14 =	vmul.f32 v17, v9;
	[tilespmem:s11+$0xFFFFFFE0] =	vst v16;
	v17 =	vld [tilespmem:s23+$0x20]  }
0x181: {  	s13 =	smov.u32 s15;
	s15 =	sadd.s32 $0x80, s15;
	v13 =	vmul.f32 v13, v5;
	v16 =	vld [tilespmem:s9+$0xFFFFFFF0];
	v20 =	vmul.f32 v20, v4  }
0x182: {  	v10 =	vmov s26;
	v22 =	vsub.f32 $1.000000000e+00, v11;
	v14 =	vadd.f32 v19, v14;
	v19 =	vld [tilespmem:s24+$0xFFFFFFF0]  }
0x183: {  	v23 =	vmul.f32 v15, v1;
	v13 =	vadd.f32 v20, v13;
	v20 =	vld [tilespmem:s0+$0x20];
	v18 =	vmul.f32 v18, v0;
	v0 =	vmovc v3  }
0x184: {  	v15 =	vmul.f32 v12, v11;
	v3 =	vmovc v4;
	v4 =	vmov v6;
	v12 =	vld [tilespmem:s15+$0xFFFFFFC0];
	v21 =	vmul.f32 v21, v22;
	[tilespmem:s14+$0xFFFFFFD0] =	vst v14  }
0x185: {  	v1 =	vmovc v2;
	v2 =	vmovc v5;
	v6 =	vmov v8;
	v8 =	vmov v11;
	v14 =	vld [tilespmem:s25+$0xFFFFFFE0];
	[tilespmem:s7+$0x0] =	vst v13;
	v13 =	vadd.f32 v18, v23  }
0x186: {  	v5 =	vmovc v7;
	v7 =	vmovc v9;
	v9 =	vmov v22;
	v11 =	vadd.f32 v15, v21;
	v15 =	vmul.f32 v16, v4;
	v21 =	vld [tilespmem:s5+$0x10]  }
0x187: {  	v18 =	vmul.f32 v19, v5;
	v22 =	vld [tilespmem:s4+$0x10];
	[tilespmem:s31+$0x30] =	vst v13;
	s31 =	smov.u32 s1;
	s1 =	smov.u32 s7;
	s7 =	smov.u32 s11  }
.Ltmp7:
0x188: {  	v13 =	vmul.f32 v17, v1;
	s11 =	smov.u32 s14;
	s14 =	smov.u32 s16;
	[tilespmem:s16+$0xFFFFFFC0] =	vst v11;
	v16 =	vld [tilespmem:s12+$0xFFFFFFE0];
	v11 =	vmul.f32 v20, v0;
	(pc) =	sbr.rel @p0 .LBB2_13-.Ltmp7, $4  }
0x189: {  	v19 =	vld [tilespmem:s13+$0xFFFFFFD0];
	v15 =	vadd.f32 v15, v18  }
0x18a: {  	s16 =	sadd.s32 $0x80, s16;
	v17 =	vld [tilespmem:s3+$0xFFFFFFD0];
	v20 =	vadd.f32 v11, v13  }
0x18b: {  	v18 =	vmul.f32 v14, v6;
	v11 =	vld [tilespmem:s6+$0x6680];
	[tilespmem:s7+$0xFFFFFFF0] =	vst v15  }
0x18c: {  	s20 =	sadd.s32 $0x4, s20;
	s8 =	smov.u32 s22;
	v15 =	vmul.f32 v21, v2;
	v13 =	vld [tilespmem:s24+$0x0];
	v14 =	vmul.f32 v22, v3;
	[tilespmem:s31+$0x20] =	vst v20  }
0x18d: {  	_ =	sdelay $0x1  }
0x18e: {  	v20 =	vld [tilespmem:s17+$0xFFFFFFC0]  }
0x18f: {  	v10 =	vperm.xlane v11, v10;
	_ =	sdelay $0x1  }
0x190: {  	v11 =	vsub.f32 $1.000000000e+00, v10;
	_ =	sdelay $0x1  }
0x191: {  	v12 =	vmul.f32 v12, v10;
	v20 =	vmul.f32 v20, v11;
	_ =	sdelay $0x1  }
0x192: {  	v12 =	vadd.f32 v12, v20;
	_ =	sdelay $0x1  }
0x193: {  	[tilespmem:s16+$0xFFFFFFC0] =	vst v12  }
0x194: {  	v12 =	vld [tilespmem:s15+$0xFFFFFFD0]  }
0x195: {  	v52 =	vld [tilespmem:s17+$0xFFFFFFD0]  }
0x196: {  	v19 =	vmul.f32 v19, v8;
	v17 =	vmul.f32 v17, v9;
	_ =	sdelay $0x1  }
0x197: {  	v17 =	vadd.f32 v19, v17;
	_ =	sdelay $0x1  }
0x198: {  	[tilespmem:s14+$0xFFFFFFD0] =	vst v17;
	v12 =	vmul.f32 v12, v10;
	v53 =	vmul.f32 v52, v11  }
0x199: {  	v17 =	vld [tilespmem:s13+$0xFFFFFFE0]  }
0x19a: {  	v54 =	vld [tilespmem:s3+$0xFFFFFFE0];
	v12 =	vadd.f32 v12, v53;
	_ =	sdelay $0x1  }
0x19b: {  	[tilespmem:s16+$0xFFFFFFD0] =	vst v12  }
0x19c: {  	v16 =	vmul.f32 v16, v7;
	v12 =	vld [tilespmem:s15+$0xFFFFFFE0]  }
0x19d: {  	v55 =	vld [tilespmem:s17+$0xFFFFFFE0]  }
0x19e: {  	v16 =	vadd.f32 v18, v16;
	v17 =	vmul.f32 v17, v8;
	v56 =	vmul.f32 v54, v9;
	_ =	sdelay $0x1  }
0x19f: {  	[tilespmem:s11+$0xFFFFFFE0] =	vst v16;
	v57 =	vadd.f32 v17, v56  }
0x1a0: {  	v59 =	vld [tilespmem:s25+$0xFFFFFFF0]  }
0x1a1: {  	v60 =	vld [tilespmem:s12+$0xFFFFFFF0];
	[tilespmem:s14+$0xFFFFFFE0] =	vst v57;
	v12 =	vmul.f32 v12, v10;
	v58 =	vmul.f32 v55, v11  }
0x1a2: {  	v16 =	vld [tilespmem:s13+$0xFFFFFFF0]  }
0x1a3: {  	v61 =	vld [tilespmem:s3+$0xFFFFFFF0];
	v12 =	vadd.f32 v12, v58;
	_ =	sdelay $0x1  }
0x1a4: {  	[tilespmem:s16+$0xFFFFFFE0] =	vst v12  }
0x1a5: {  	v18 =	vmul.f32 v59, v6;
	v19 =	vmul.f32 v60, v7;
	v12 =	vld [tilespmem:s15+$0xFFFFFFF0]  }
0x1a6: {  	v62 =	vld [tilespmem:s17+$0xFFFFFFF0]  }
0x1a7: {  	v18 =	vadd.f32 v18, v19;
	v16 =	vmul.f32 v16, v8;
	v17 =	vmul.f32 v61, v9;
	_ =	sdelay $0x1  }
0x1a8: {  	[tilespmem:s11+$0xFFFFFFF0] =	vst v18;
	v16 =	vadd.f32 v16, v17  }
0x1a9: {  	v18 =	vld [tilespmem:s12+$0x0]  }
0x1aa: {  	v25 =	vld [tilespmem:s25+$0x0];
	[tilespmem:s14+$0xFFFFFFF0] =	vst v16;
	v12 =	vmul.f32 v12, v10;
	v24 =	vmul.f32 v62, v11  }
0x1ab: {  	v16 =	vld [tilespmem:s3+$0x0]  }
0x1ac: {  	v26 =	vld [tilespmem:s13+$0x0];
	v12 =	vadd.f32 v12, v24;
	_ =	sdelay $0x1  }
0x1ad: {  	v63 =	vld [tilespmem:s9+$0x0];
	[tilespmem:s16+$0xFFFFFFF0] =	vst v12  }
0x1ae: {  	v29 =	vmul.f32 v25, v6;
	v18 =	vmul.f32 v18, v7;
	v28 =	vld [tilespmem:s17+$0x0]  }
0x1af: {  	v21 =	vld [tilespmem:s15+$0x0]  }
0x1b0: {  	v30 =	vadd.f32 v29, v18;
	v31 =	vmul.f32 v26, v8;
	v16 =	vmul.f32 v16, v9;
	_ =	sdelay $0x1  }
0x1b1: {  	v13 =	vmul.f32 v13, v5;
	v27 =	vmul.f32 v63, v4;
	[tilespmem:s11+$0x0] =	vst v30;
	v34 =	vadd.f32 v31, v16  }
0x1b2: {  	v37 =	vld [tilespmem:s12+$0x10]  }
0x1b3: {  	v38 =	vld [tilespmem:s25+$0x10];
	[tilespmem:s14+$0x0] =	vst v34;
	v12 =	vadd.f32 v27, v13;
	v35 =	vmul.f32 v21, v10;
	v36 =	vmul.f32 v28, v11  }
0x1b4: {  	v40 =	vld [tilespmem:s3+$0x10]  }
0x1b5: {  	v41 =	vld [tilespmem:s13+$0x10];
	[tilespmem:s7+$0x0] =	vst v12;
	v39 =	vadd.f32 v35, v36  }
0x1b6: {  	v32 =	vld [tilespmem:s24+$0x10]  }
0x1b7: {  	v42 =	vadd.f32 v14, v15;
	v33 =	vld [tilespmem:s9+$0x10];
	[tilespmem:s16+$0x0] =	vst v39  }
0x1b8: {  	v48 =	vmul.f32 v38, v6;
	v49 =	vmul.f32 v37, v7;
	v45 =	vld [tilespmem:s17+$0x10]  }
0x1b9: {  	[tilespmem:s1+$0x10] =	vst v42;
	v46 =	vld [tilespmem:s15+$0x10]  }
0x1ba: {  	v50 =	vld [tilespmem:s5+$0x20];
	v52 =	vadd.f32 v48, v49;
	v53 =	vmul.f32 v41, v8;
	v13 =	vmul.f32 v40, v9  }
0x1bb: {  	v51 =	vld [tilespmem:s4+$0x20]  }
0x1bc: {  	v22 =	vld [tilespmem:s0+$0x30];
	[tilespmem:s11+$0x10] =	vst v52;
	v56 =	vadd.f32 v53, v13;
	v43 =	vmul.f32 v33, v4;
	v44 =	vmul.f32 v32, v5  }
0x1bd: {  	v59 =	vld [tilespmem:s12+$0x20]  }
0x1be: {  	v60 =	vld [tilespmem:s25+$0x20];
	[tilespmem:s14+$0x10] =	vst v56;
	v47 =	vadd.f32 v43, v44;
	v57 =	vmul.f32 v46, v10;
	v58 =	vmul.f32 v45, v11  }
0x1bf: {  	v24 =	vld [tilespmem:s3+$0x20]  }
0x1c0: {  	v63 =	vmul.f32 v50, v2;
	v62 =	vmul.f32 v51, v3;
	v25 =	vld [tilespmem:s13+$0x20];
	[tilespmem:s7+$0x10] =	vst v47;
	v61 =	vadd.f32 v57, v58  }
0x1c1: {  	v54 =	vld [tilespmem:s24+$0x20]  }
0x1c2: {  	v26 =	vadd.f32 v62, v63;
	v55 =	vld [tilespmem:s9+$0x20];
	[tilespmem:s16+$0x10] =	vst v61  }
0x1c3: {  	v32 =	vmul.f32 v60, v6;
	v33 =	vmul.f32 v59, v7;
	v29 =	vld [tilespmem:s17+$0x20]  }
0x1c4: {  	[tilespmem:s1+$0x20] =	vst v26;
	v30 =	vld [tilespmem:s15+$0x20]  }
0x1c5: {  	v34 =	vld [tilespmem:s5+$0x30];
	v36 =	vadd.f32 v32, v33;
	v37 =	vmul.f32 v25, v8;
	v38 =	vmul.f32 v24, v9  }
0x1c6: {  	v21 =	vld [tilespmem:s23+$0x30]  }
0x1c7: {  	v35 =	vld [tilespmem:s4+$0x30];
	[tilespmem:s11+$0x20] =	vst v36;
	v41 =	vadd.f32 v37, v38;
	v27 =	vmul.f32 v55, v4;
	v28 =	vmul.f32 v54, v5  }
0x1c8: {  	v44 =	vld [tilespmem:s12+$0x30]  }
0x1c9: {  	[tilespmem:s14+$0x20] =	vst v41;
	v45 =	vld [tilespmem:s25+$0x30];
	v31 =	vadd.f32 v27, v28;
	v42 =	vmul.f32 v30, v10;
	v43 =	vmul.f32 v29, v11  }
0x1ca: {  	v47 =	vld [tilespmem:s3+$0x30]  }
0x1cb: {  	v48 =	vld [tilespmem:s13+$0x30];
	[tilespmem:s7+$0x20] =	vst v31;
	v46 =	vadd.f32 v42, v43  }
0x1cc: {  	v39 =	vld [tilespmem:s24+$0x30]  }
0x1cd: {  	v40 =	vld [tilespmem:s9+$0x30];
	[tilespmem:s16+$0x20] =	vst v46  }
0x1ce: {  	v12 =	vld [tilespmem:s17+$0x30]  }
0x1cf: {  	v0 =	vmul.f32 v22, v0;
	v1 =	vmul.f32 v21, v1;
	v49 =	vld [tilespmem:s15+$0x30]  }
0x1d0: {  	v51 =	vmul.f32 v34, v2;
	v50 =	vmul.f32 v35, v3  }
0x1d1: {  	v0 =	vadd.f32 v0, v1;
	v55 =	vmul.f32 v44, v7;
	v54 =	vmul.f32 v45, v6  }
0x1d2: {  	v2 =	vadd.f32 v50, v51;
	v57 =	vmul.f32 v48, v8;
	v58 =	vmul.f32 v47, v9  }
0x1d3: {  	[tilespmem:s31+$0x30] =	vst v0;
	v59 =	vadd.f32 v54, v55;
	v52 =	vmul.f32 v40, v4;
	v53 =	vmul.f32 v39, v5  }
0x1d4: {  	[tilespmem:s1+$0x30] =	vst v2;
	v62 =	vadd.f32 v57, v58;
	v60 =	vmul.f32 v49, v10;
	v61 =	vmul.f32 v12, v11  }
0x1d5: {  	[tilespmem:s11+$0x30] =	vst v59;
	v56 =	vadd.f32 v52, v53  }
0x1d6: {  	[tilespmem:s14+$0x30] =	vst v62;
	v63 =	vadd.f32 v60, v61  }
.Ltmp8:
0x1d7: {  	[tilespmem:s7+$0x30] =	vst v56;
	(pc) =	sbr.rel @p1 .LBB2_18-.Ltmp8, $4  }
0x1d8: {  	[tilespmem:s16+$0x30] =	vst v63  }
0x1d9: {  	s25 =	sshll.u32 s30, $0xC;
	s1 =	rddreg [dreg:$0x7]  }
0x1da: {  	s26 =	simm.s32 $0x0;
	s31 =	simm.s32 $0x1A700;
	s0 =	sadd.s32 s1, s25  }
0x1db: {  	[hbm4b:s0+s26] =	stream.linear.scatter [tilespmem:s31], [sflag:$0x4], $0x4000, $0x38;
	[tilespmem:$0x1E700] =	vst v63  }
0x1dc: {  	s0 =	sadd.s32 $0x0, s29  }
0x1dd: {  	v0 =	vld [tilespmem:s0+$0x0];
	_ =	sdelay $0x2  }
0x1de: {  	s31 =	sadd.s32 $0x10, s29  }
0x1df: {  	v1 =	vld [tilespmem:s31+$0x0]  }
0x1e0: {  	v0 =	vmul.f32 $1.000000000e+05, v0;
	_ =	sdelay $0x1  }
0x1e1: {  	v0 =	vmax.f32 v0, $0.0e+00  }
0x1e2: {  	v2 =	vmin.f32 v0, $9.999900000e+04  }
0x1e3: {  	v1 =	vmul.f32 $1.000000000e+05, v1;
	v0 =	vtrunc.f32 v2  }
0x1e4: {  	v0 =	vcvt.f32.s32 v0  }
0x1e5: {  	s1 =	simm.s32 $0x0;
	s5 =	sadd.s32 $0x20, s29;
	v1 =	vmax.f32 v1, $0.0e+00  }
0x1e6: {  	v3 =	vadd.s32 $0x1, v0;
	v4 =	vcvt.s32.f32 v0;
	[tilespmem:s1+$0x6480] =	vst v0;
	v0 =	vmin.f32 v1, $9.999900000e+04;
	v1 =	vld [tilespmem:s5+$0x0]  }
0x1e7: {  	vm0 =	vlt.s32 v3, $0x1869F  }
0x1e8: {  	v5 =	vnsel vm0, $0x1869F, v3;
	v2 =	vsub.f32 v2, v4  }
0x1e9: {  	s3 =	simm.s32 $0x10;
	s4 =	simm.s32 $0xC0;
	s0 =	simm.s32 $0x20;
	v3 =	vtrunc.f32 v0;
	[tilespmem:s1+$0x6580] =	vst v5  }
.LBB2_16:
0x1ea: {  	s5 =	sshra.s32 s4, $0x2;
	p0 =	sne.s32 s4, $0x1C0;
	s4 =	sadd.s32 $0x40, s4;
	v3 =	vcvt.f32.s32 v3;
	[tilespmem:s1+$0x6680] =	vst v2  }
.Ltmp9:
0x1eb: {  	s1 =	smov.u32 s3;
	s6 =	sadd.s32 s5, s29;
	v2 =	vmul.f32 $1.000000000e+05, v1;
	(pc) =	sbr.rel @p0 .LBB2_16-.Ltmp9, $4  }
0x1ec: {  	s3 =	smov.u32 s0;
	s0 =	smov.u32 s5;
	v1 =	vld [tilespmem:s6+$0x0];
	[tilespmem:s1+$0x6480] =	vst v3;
	v4 =	vadd.s32 $0x1, v3;
	v3 =	vcvt.s32.f32 v3  }
0x1ed: {  	v5 =	vmax.f32 v2, $0.0e+00;
	vm0 =	vlt.s32 v4, $0x1869F  }
0x1ee: {  	v4 =	vnsel vm0, $0x1869F, v4;
	v2 =	vsub.f32 v0, v3;
	v0 =	vmin.f32 v5, $9.999900000e+04  }
0x1ef: {  	v3 =	vtrunc.f32 v0;
	[tilespmem:s1+$0x6580] =	vst v4  }
0x1f0: {  	_ = 	snop  }
0x1f1: {  	v1 =	vmul.f32 $1.000000000e+05, v1;
	_ =	sdelay $0x1  }
0x1f2: {  	v3 =	vcvt.f32.s32 v3;
	v1 =	vmax.f32 v1, $0.0e+00  }
0x1f3: {  	v1 =	vmin.f32 v1, $9.999900000e+04  }
0x1f4: {  	v4 =	vadd.s32 $0x1, v3;
	v5 =	vcvt.s32.f32 v3;
	v6 =	vtrunc.f32 v1  }
0x1f5: {  	[tilespmem:s1+$0x6680] =	vst v2;
	vm0 =	vlt.s32 v4, $0x1869F;
	v59 =	vcvt.f32.s32 v6  }
0x1f6: {  	[tilespmem:s3+$0x6480] =	vst v3;
	v60 =	vnsel vm0, $0x1869F, v4;
	v0 =	vsub.f32 v0, v5  }
0x1f7: {  	[tilespmem:s3+$0x6580] =	vst v60;
	v61 =	vadd.s32 $0x1, v59;
	v62 =	vcvt.s32.f32 v59  }
0x1f8: {  	[tilespmem:s3+$0x6680] =	vst v0;
	vm15 =	vlt.s32 v61, $0x1869F  }
0x1f9: {  	[tilespmem:s0+$0x6480] =	vst v59;
	v63 =	vnsel vm15, $0x1869F, v61;
	v1 =	vsub.f32 v1, v62  }
.Ltmp10:
0x1fa: {  	s24 =	simm.s32 $0x6480;
	[tilespmem:s0+$0x6580] =	vst v63;
	(pc) =	sbr.rel .LBB2_6-.Ltmp10, $4  }
0x1fb: {  	s25 =	simm.s32 $0xA700;
	s26 =	simm.s32 $0x6580;
	s31 =	simm.s32 $0x12700;
	[tilespmem:s0+$0x6680] =	vst v1  }
0x1fc: {  	[tilespmem:s25], [sflag:$0x2] =	stream.indirect.gather [hbm4b:s2+s10], $0x80, s24, s10, $0xb8;
	[tilespmem:$0x1E700] =	vst v63  }
0x1fd: {  	s30 =	sadd.s32 $0x1, s30;
	s28 =	sadd.s32 $0x100, s28;
	s29 =	sadd.s32 $0x100, s29  }
0x1fe: {  	[tilespmem:s31], [sflag:$0x2] =	stream.indirect.gather [hbm4b:s2+s10], $0x80, s26, s10, $0xb8;
	[tilespmem:$0x1E700] =	vst v63  }
.LBB2_19:
0x1ff: {  	_ =	sfence.sel $0x180000  }
0x200: {  	[bflag:$0x0] =	sbarrier.arrive $0xFFFF  }
0x201: {  	_ =	strace $0x90000047  }
0x202: {  	s0 =	stileid.u32;
	[bflag:$0x2] =	sbarrier.arrive $0xFFFF  }
0x203: {  	p0 =	sne.s32 s0, $0x0;
	s0 =	rddreg [dreg:$0x3]  }
0x204: {  	s0 =	sadd.s32 @!p0 $0x100000, s0  }
0x205: {  	[sflag:s0] =	ssyncadd.tile.s32 @!p0 $0x1;
	_ =	shalt  }
.Lfunc_end2:
_tile_overlayer_lowered:
.L_overlay_start_2:
0x206: {  	(tag) =	ssettag $0x2  }
0x207: {  	s0 =	rddreg [dreg:$0x0];
	s2 =	stileid.u32  }
0x208: {  	s1 =	rddreg [dreg:$0x1];
	p0 =	sne.s32 s2, $0x0  }
0x209: {  	s3 =	rddreg [dreg:$0x2];
	[bflag:$0x3] =	sbarrier.arrive $0xFFFF;
	s2 =	simm.s32 @!p0 $0x1C05  }
0x20a: {  	[timem:s3], [sflag:s2] =	dma.local @!p0 [hbm:s0], s1  }
0x20b: {  	s0 =	simm.s32 @!p0 $0x5  }
0x20c: {  	_ =	swait.ge @!p0 [sflag:s0], s1  }
0x20d: {  	s1 =	ssub.s32 @!p0 $0x0, s1;
	[sflag:s0] =	ssyncset.done @!p0 $0x0  }
0x20e: {  	[sflag:s0] =	ssyncadd.s32 @!p0 s1  }
0x20f: {  	[bflag:$0x3] =	sbarrier.arrive $0xFFFF  }
0x210: {  	_ =	shalt  }

</sc_bundles>
